<compile_context>
chip_gen: v7x
topology: tpu7x:2x2x1
jax: 0.10.2.dev20260603
libtpu: 0.0.44.dev20260713+nightly
codegen_flags: <defaults>
</compile_context>

<pallas_src>
import functools

import jax
import jax.numpy as jnp
from jax import lax
from jax.experimental import pallas as pl
from jax.experimental.pallas import tpu as pltpu
from jax.experimental.pallas import tpu_sc as plsc

BT = 1024
NT = 1024
TOPK = 4
NEG = -3.0
BIG = 2 ** 30


def _topk_body(nn, n_real, pq_ref, qn_ref, kn_ref, k_ref, out_ref,
               mv_ref, mi_ref):
    j = pl.program_id(1)

    @pl.when(j == 0)
    def _init():
        mv_ref[...] = jnp.full((BT, TOPK * 128), NEG, jnp.float32)
        mi_ref[...] = jnp.full((BT, TOPK * 128), BIG, jnp.int32)

    k = k_ref[...]
    raw = lax.dot_general(pq_ref[...], k, (((1,), (1,)), ((), ())),
                          preferred_element_type=jnp.float32)
    denom = jnp.maximum(qn_ref[...] * kn_ref[...], 1e-8)
    s = raw / denom
    col0 = lax.broadcasted_iota(jnp.int32, s.shape, 1) + j * NT
    s = jnp.where(col0 < n_real, s, NEG)
    lane = lax.broadcasted_iota(jnp.int32, (BT, 128), 1)

    m = [mv_ref[:, d * 128:(d + 1) * 128] for d in range(TOPK)]
    idx = [mi_ref[:, d * 128:(d + 1) * 128] for d in range(TOPK)]
    for gi in range(NT // 128):
        g = s[:, gi * 128:(gi + 1) * 128]
        col = lane + (j * NT + gi * 128)
        c = [m[d] >= g for d in range(TOPK)]
        tv, ti = g, col
        nm, ni_ = [], []
        for d in range(TOPK):
            nm.append(jnp.where(c[d], m[d], tv))
            ni_.append(jnp.where(c[d], idx[d], ti))
            if d + 1 < TOPK:
                tv = jnp.where(c[d], tv, m[d])
                ti = jnp.where(c[d], ti, idx[d])
        m, idx = nm, ni_
    mv_ref[...] = jnp.concatenate(m, axis=1)
    mi_ref[...] = jnp.concatenate(idx, axis=1)

    @pl.when(j == nn - 1)
    def _last():
        fv = jnp.concatenate(m, axis=1)
        fi = jnp.concatenate(idx, axis=1)
        outs = []
        for _ in range(TOPK):
            mx = jnp.max(fv, axis=1, keepdims=True)
            pick = jnp.min(jnp.where(fv == mx, fi, BIG),
                           axis=1, keepdims=True)
            outs.append(pick)
            fv = jnp.where(fi == pick, NEG, fv)
        out_ref[...] = jnp.concatenate(outs, axis=1)


def _topk_indices(pq, qn, kn_row, keys):
    bsz, d = pq.shape
    n = keys.shape[0]
    nn = pl.cdiv(n, NT)
    nb = bsz // BT
    return pl.pallas_call(
        functools.partial(_topk_body, nn, n),
        grid=(nb, nn),
        in_specs=[
            pl.BlockSpec((BT, d), lambda i, j: (i, 0)),
            pl.BlockSpec((BT, 1), lambda i, j: (i, 0)),
            pl.BlockSpec((1, NT), lambda i, j: (0, j)),
            pl.BlockSpec((NT, d), lambda i, j: (j, 0)),
        ],
        out_specs=pl.BlockSpec((BT, TOPK), lambda i, j: (i, 0)),
        out_shape=jax.ShapeDtypeStruct((bsz, TOPK), jnp.int32),
        scratch_shapes=[
            pltpu.VMEM((BT, TOPK * 128), jnp.float32),
            pltpu.VMEM((BT, TOPK * 128), jnp.int32),
        ],
        compiler_params=pltpu.CompilerParams(
            dimension_semantics=("parallel", "arbitrary")),
    )(pq, qn, kn_row, keys)


def _sc_body(values_hbm, idx_hbm, out_hbm, idx_v, rows_v, out_v, sem):
    wid = lax.axis_index("s") * 2 + lax.axis_index("c")
    pltpu.sync_copy(idx_hbm.at[wid], idx_v)
    copies = []
    for jj in range(4):
        copies.append(pltpu.async_copy(
            values_hbm.at[idx_v.at[jj]],
            rows_v.at[pl.ds(jj * 128, 128)], sem))
    for cp in copies:
        cp.wait()

    def body(rr, carry):
        for cc in range(8):
            sl = pl.ds(cc * 16, 16)
            acc = (rows_v[4 * rr, sl] + rows_v[4 * rr + 1, sl]
                   + rows_v[4 * rr + 2, sl] + rows_v[4 * rr + 3, sl])
            out_v[rr, sl] = acc * 0.25
        return carry

    lax.fori_loop(0, 128, body, 0)
    pltpu.sync_copy(out_v, out_hbm.at[pl.ds(wid * 128, 128)])


def _gather_mean(values, idx3, bsz, d):
    mesh = plsc.VectorSubcoreMesh(core_axis_name="c", subcore_axis_name="s")
    fn = pl.kernel(
        _sc_body,
        mesh=mesh,
        out_type=jax.ShapeDtypeStruct((bsz, d), jnp.float32),
        scratch_types=[
            pltpu.VMEM((4, 128), jnp.int32),
            pltpu.VMEM((512, 128), jnp.float32),
            pltpu.VMEM((128, 128), jnp.float32),
            pltpu.SemaphoreType.DMA,
        ],
    )
    return fn(values, idx3)


def kernel(query, W_retr, b_retr, keys, values, schema_active, top_k):
    bsz, d = query.shape
    pq = query @ W_retr.T + b_retr
    qn = jnp.linalg.norm(pq, axis=1, keepdims=True)
    kn = jnp.linalg.norm(keys, axis=1, keepdims=True)
    top_idx = _topk_indices(pq, qn, kn.T, keys)
    idx3 = top_idx.reshape(32, (bsz * TOPK) // (32 * 128), 128)
    return _gather_mean(values, idx3, bsz, d)

# --- scband reference (transcript-rebuilt; emitter-appended) ---
"""Pipeline reference for scband-human-like-schema-store-66529043415106 (READ-ONLY COPY).

The authoritative reference and input builder live on the scoring server;
editing this copy changes nothing except your own understanding.
"""

import jax, jax.numpy as jnp
import numpy as np

N_SCHEMAS = 100000
D_MODEL = 128
BATCH = 4096
TOP_K = 4

def setup_inputs(seed: int = 0) -> dict:
    key = jax.random.key(seed)
    ks = jax.random.split(key, 5)
    query = jax.random.normal(ks[0], (BATCH, D_MODEL), dtype=jnp.float32)
    # retrieval_processor Linear(d_model, d_model) params
    W_retr = jax.random.normal(ks[1], (D_MODEL, D_MODEL), dtype=jnp.float32) * (1.0 / np.sqrt(D_MODEL))
    b_retr = jnp.zeros((D_MODEL,), dtype=jnp.float32)
    # registered buffers: keys = randn*0.1, values populated (store filled with memories)
    keys = jax.random.normal(ks[2], (N_SCHEMAS, D_MODEL), dtype=jnp.float32) * 0.1
    values = jax.random.normal(ks[3], (N_SCHEMAS, D_MODEL), dtype=jnp.float32)
    # all schemas active (store has been populated via update())
    schema_active = jnp.ones((N_SCHEMAS,), dtype=bool)
    return {"query": query, "W_retr": W_retr, "b_retr": b_retr, "keys": keys, "values": values, "schema_active": schema_active, "top_k": TOP_K}

def reference(query, W_retr, b_retr, keys, values, schema_active, top_k):
    # processed_query = self.retrieval_processor(query)
    pq = query @ W_retr.T + b_retr
    # cosine similarity of each processed query vs every schema key (vectorized over batch)
    qn = jnp.linalg.norm(pq, axis=1, keepdims=True)            # [B, 1]
    kn = jnp.linalg.norm(keys, axis=1, keepdims=True)          # [N, 1]
    denom = jnp.clip(qn * kn.T, 1e-8, None)                    # [B, N], matches F.cosine_similarity eps
    sims = (pq @ keys.T) / denom                               # [B, N]
    # retrieval_scores = similarities * active_mask (all schemas active -> mask of ones)
    active_mask = schema_active.astype(jnp.float32)
    scores = sims * active_mask[None, :]
    # topk over schema axis; all indices are active so all are kept
    _, top_idx = jax.lax.top_k(scores, TOP_K)                  # [B, k]
    top_idx = top_idx + (jnp.asarray(top_k) * 0).astype(top_idx.dtype)
    # gather schema values and mean-pool over the k retrieved schemas
    retrieved = values[top_idx]                                # [B, k, D] gather
    result = jnp.mean(retrieved, axis=1)                       # [B, D]
    return result

if __name__ == "__main__":
    import jax
    _d = setup_inputs()
    print(jax.jit(kernel)(*tuple(_d.values())))

</pallas_src>

<mosaic_0001>
#map = affine_map<(d0, d1) -> (0, 0)>
#map1 = affine_map<(d0, d1) -> (0, 0, 0)>
module attributes {stable_mosaic.version = 14 : i64} {
  func.func @_sc_body(%arg0: i32, %arg1: i32, %arg2: memref<100000x128xf32, #tpu.memory_space<hbm>>, %arg3: memref<32x4x128xi32, #tpu.memory_space<hbm>>, %arg4: memref<4096x128xf32, #tpu.memory_space<hbm>>, %arg5: memref<4x128xi32, #tpu.memory_space<vmem>>, %arg6: memref<512x128xf32, #tpu.memory_space<vmem>>, %arg7: memref<128x128xf32, #tpu.memory_space<vmem>>, %arg8: memref<!tpu.dma_semaphore, #tpu.memory_space<semaphore_mem>>) attributes {dimension_semantics = [#tpu.dimension_semantics<core_parallel>, #tpu.dimension_semantics<subcore_parallel>], iteration_bounds = array<i64: 2, 16>, scalar_prefetch = 0 : i64, scratch_operands = 4 : i64, tpu.core_type = #tpu.core_type<sc_vector_subcore>, window_params = [{transform_indices = #map}, {transform_indices = #map1}, {transform_indices = #map}]} {
    %mul3A = arith.constant 2 : i32
    %mul3A_0 = arith.muli %arg1, %mul3A : i32
    %add3A = arith.addi %mul3A_0, %arg0 : i32
    "tpu.region"() ({
      %run_scoped3A = tpu.sem_alloc : memref<!tpu.dma_semaphore, #tpu.memory_space<semaphore_mem>>
      %dma_start3A_86 = arith.constant 0 : i32
      %dma_start3A_87 = arith.constant 0 : i32
      %dma_start3A_88 = tpu.memref_slice %arg3[%add3A, %dma_start3A_86, %dma_start3A_87] : memref<32x4x128xi32, #tpu.memory_space<hbm>> -> memref<1x4x128xi32, #tpu.memory_space<hbm>>
      %dma_start3A_89 = tpu.memref_squeeze %dma_start3A_88 : memref<1x4x128xi32, #tpu.memory_space<hbm>> -> memref<4x128xi32, #tpu.memory_space<hbm>>
      %dma_start3A_90 = arith.constant 0 : i32
      %dma_start3A_91 = arith.constant 0 : i32
      %dma_start3A_92 = tpu.memref_slice %arg3[%add3A, %dma_start3A_90, %dma_start3A_91] : memref<32x4x128xi32, #tpu.memory_space<hbm>> -> memref<1x4x128xi32, #tpu.memory_space<hbm>>
      %dma_start3A_93 = tpu.memref_squeeze %dma_start3A_92 : memref<1x4x128xi32, #tpu.memory_space<hbm>> -> memref<4x128xi32, #tpu.memory_space<hbm>>
      tpu.enqueue_dma source(%dma_start3A_93 : memref<4x128xi32, #tpu.memory_space<hbm>>) target(%arg5 : memref<4x128xi32, #tpu.memory_space<vmem>>) target_semaphore(%run_scoped3A : memref<!tpu.dma_semaphore, #tpu.memory_space<semaphore_mem>>)
      %dma_wait3A_94 = arith.constant 0 : i32
      %dma_wait3A_95 = arith.constant 0 : i32
      %dma_wait3A_96 = tpu.memref_slice %arg3[%add3A, %dma_wait3A_94, %dma_wait3A_95] : memref<32x4x128xi32, #tpu.memory_space<hbm>> -> memref<1x4x128xi32, #tpu.memory_space<hbm>>
      %dma_wait3A_97 = tpu.memref_squeeze %dma_wait3A_96 : memref<1x4x128xi32, #tpu.memory_space<hbm>> -> memref<4x128xi32, #tpu.memory_space<hbm>>
      %dma_wait3A_98 = arith.constant 0 : i32
      %dma_wait3A_99 = arith.constant 0 : i32
      %dma_wait3A_100 = tpu.memref_slice %arg3[%add3A, %dma_wait3A_98, %dma_wait3A_99] : memref<32x4x128xi32, #tpu.memory_space<hbm>> -> memref<1x4x128xi32, #tpu.memory_space<hbm>>
      %dma_wait3A_101 = tpu.memref_squeeze %dma_wait3A_100 : memref<1x4x128xi32, #tpu.memory_space<hbm>> -> memref<4x128xi32, #tpu.memory_space<hbm>>
      tpu.wait_dma2 semaphore(%run_scoped3A : memref<!tpu.dma_semaphore, #tpu.memory_space<semaphore_mem>>) src(%dma_wait3A_101 : memref<4x128xi32, #tpu.memory_space<hbm>>) dst(%arg5 : memref<4x128xi32, #tpu.memory_space<vmem>>)
      tpu.yield
    }) : () -> ()
    %dma_start3A = arith.constant 0 : i32
    %dma_start3A_1 = arith.constant 0 : i32
    %dma_start3A_2 = arith.constant 0 : i32
    %dma_start3A_3 = tpu.memref_slice %arg6[%dma_start3A_1, %dma_start3A_2] : memref<512x128xf32, #tpu.memory_space<vmem>> -> memref<128x128xf32, #tpu.memory_space<vmem>>
    %dma_start3A_4 = arith.constant 0 : i32
    %dma_start3A_5 = tpu.memref_slice %arg5[%dma_start3A, %dma_start3A_4] : memref<4x128xi32, #tpu.memory_space<vmem>> -> memref<1x128xi32, #tpu.memory_space<vmem>>
    %dma_start3A_6 = tpu.memref_squeeze %dma_start3A_5 : memref<1x128xi32, #tpu.memory_space<vmem>> -> memref<128xi32, #tpu.memory_space<vmem>>
    %dma_start3A_7 = arith.constant 0 : i32
    %dma_start3A_8 = arith.constant 0 : i32
    %dma_start3A_9 = tpu.memref_slice %arg2[%dma_start3A_7, %dma_start3A_8] : memref<100000x128xf32, #tpu.memory_space<hbm>> -> memref<100000x128xf32, #tpu.memory_space<hbm>>
    tpu.enqueue_indirect_dma source(%dma_start3A_9 : memref<100000x128xf32, #tpu.memory_space<hbm>>) target(%dma_start3A_3 : memref<128x128xf32, #tpu.memory_space<vmem>>) offsets(%dma_start3A_6 : memref<128xi32, #tpu.memory_space<vmem>>) semaphore(%arg8 : memref<!tpu.dma_semaphore, #tpu.memory_space<semaphore_mem>>)
    %dma_start3A_10 = arith.constant 1 : i32
    %dma_start3A_11 = arith.constant 128 : i32
    %dma_start3A_12 = arith.constant 0 : i32
    %dma_start3A_13 = tpu.memref_slice %arg6[%dma_start3A_11, %dma_start3A_12] : memref<512x128xf32, #tpu.memory_space<vmem>> -> memref<128x128xf32, #tpu.memory_space<vmem>>
    %dma_start3A_14 = arith.constant 0 : i32
    %dma_start3A_15 = tpu.memref_slice %arg5[%dma_start3A_10, %dma_start3A_14] : memref<4x128xi32, #tpu.memory_space<vmem>> -> memref<1x128xi32, #tpu.memory_space<vmem>>
    %dma_start3A_16 = tpu.memref_squeeze %dma_start3A_15 : memref<1x128xi32, #tpu.memory_space<vmem>> -> memref<128xi32, #tpu.memory_space<vmem>>
    %dma_start3A_17 = arith.constant 0 : i32
    %dma_start3A_18 = arith.constant 0 : i32
    %dma_start3A_19 = tpu.memref_slice %arg2[%dma_start3A_17, %dma_start3A_18] : memref<100000x128xf32, #tpu.memory_space<hbm>> -> memref<100000x128xf32, #tpu.memory_space<hbm>>
    tpu.enqueue_indirect_dma source(%dma_start3A_19 : memref<100000x128xf32, #tpu.memory_space<hbm>>) target(%dma_start3A_13 : memref<128x128xf32, #tpu.memory_space<vmem>>) offsets(%dma_start3A_16 : memref<128xi32, #tpu.memory_space<vmem>>) semaphore(%arg8 : memref<!tpu.dma_semaphore, #tpu.memory_space<semaphore_mem>>)
    %dma_start3A_20 = arith.constant 2 : i32
    %dma_start3A_21 = arith.constant 256 : i32
    %dma_start3A_22 = arith.constant 0 : i32
    %dma_start3A_23 = tpu.memref_slice %arg6[%dma_start3A_21, %dma_start3A_22] : memref<512x128xf32, #tpu.memory_space<vmem>> -> memref<128x128xf32, #tpu.memory_space<vmem>>
    %dma_start3A_24 = arith.constant 0 : i32
    %dma_start3A_25 = tpu.memref_slice %arg5[%dma_start3A_20, %dma_start3A_24] : memref<4x128xi32, #tpu.memory_space<vmem>> -> memref<1x128xi32, #tpu.memory_space<vmem>>
    %dma_start3A_26 = tpu.memref_squeeze %dma_start3A_25 : memref<1x128xi32, #tpu.memory_space<vmem>> -> memref<128xi32, #tpu.memory_space<vmem>>
    %dma_start3A_27 = arith.constant 0 : i32
    %dma_start3A_28 = arith.constant 0 : i32
    %dma_start3A_29 = tpu.memref_slice %arg2[%dma_start3A_27, %dma_start3A_28] : memref<100000x128xf32, #tpu.memory_space<hbm>> -> memref<100000x128xf32, #tpu.memory_space<hbm>>
    tpu.enqueue_indirect_dma source(%dma_start3A_29 : memref<100000x128xf32, #tpu.memory_space<hbm>>) target(%dma_start3A_23 : memref<128x128xf32, #tpu.memory_space<vmem>>) offsets(%dma_start3A_26 : memref<128xi32, #tpu.memory_space<vmem>>) semaphore(%arg8 : memref<!tpu.dma_semaphore, #tpu.memory_space<semaphore_mem>>)
    %dma_start3A_30 = arith.constant 3 : i32
    %dma_start3A_31 = arith.constant 384 : i32
    %dma_start3A_32 = arith.constant 0 : i32
    %dma_start3A_33 = tpu.memref_slice %arg6[%dma_start3A_31, %dma_start3A_32] : memref<512x128xf32, #tpu.memory_space<vmem>> -> memref<128x128xf32, #tpu.memory_space<vmem>>
    %dma_start3A_34 = arith.constant 0 : i32
    %dma_start3A_35 = tpu.memref_slice %arg5[%dma_start3A_30, %dma_start3A_34] : memref<4x128xi32, #tpu.memory_space<vmem>> -> memref<1x128xi32, #tpu.memory_space<vmem>>
    %dma_start3A_36 = tpu.memref_squeeze %dma_start3A_35 : memref<1x128xi32, #tpu.memory_space<vmem>> -> memref<128xi32, #tpu.memory_space<vmem>>
    %dma_start3A_37 = arith.constant 0 : i32
    %dma_start3A_38 = arith.constant 0 : i32
    %dma_start3A_39 = tpu.memref_slice %arg2[%dma_start3A_37, %dma_start3A_38] : memref<100000x128xf32, #tpu.memory_space<hbm>> -> memref<100000x128xf32, #tpu.memory_space<hbm>>
    tpu.enqueue_indirect_dma source(%dma_start3A_39 : memref<100000x128xf32, #tpu.memory_space<hbm>>) target(%dma_start3A_33 : memref<128x128xf32, #tpu.memory_space<vmem>>) offsets(%dma_start3A_36 : memref<128xi32, #tpu.memory_space<vmem>>) semaphore(%arg8 : memref<!tpu.dma_semaphore, #tpu.memory_space<semaphore_mem>>)
    %dma_wait3A = arith.constant 0 : i32
    %dma_wait3A_40 = arith.constant 0 : i32
    %dma_wait3A_41 = arith.constant 0 : i32
    %dma_wait3A_42 = tpu.memref_slice %arg6[%dma_wait3A_40, %dma_wait3A_41] : memref<512x128xf32, #tpu.memory_space<vmem>> -> memref<128x128xf32, #tpu.memory_space<vmem>>
    %dma_wait3A_43 = arith.constant 0 : i32
    %dma_wait3A_44 = tpu.memref_slice %arg5[%dma_wait3A, %dma_wait3A_43] : memref<4x128xi32, #tpu.memory_space<vmem>> -> memref<1x128xi32, #tpu.memory_space<vmem>>
    %dma_wait3A_45 = tpu.memref_squeeze %dma_wait3A_44 : memref<1x128xi32, #tpu.memory_space<vmem>> -> memref<128xi32, #tpu.memory_space<vmem>>
    %dma_wait3A_46 = arith.constant 0 : i32
    %dma_wait3A_47 = arith.constant 0 : i32
    %dma_wait3A_48 = tpu.memref_slice %arg2[%dma_wait3A_46, %dma_wait3A_47] : memref<100000x128xf32, #tpu.memory_space<hbm>> -> memref<100000x128xf32, #tpu.memory_space<hbm>>
    tpu.wait_indirect_dma semaphore(%arg8 : memref<!tpu.dma_semaphore, #tpu.memory_space<semaphore_mem>>) src(%dma_wait3A_48 : memref<100000x128xf32, #tpu.memory_space<hbm>>) dst(%dma_wait3A_42 : memref<128x128xf32, #tpu.memory_space<vmem>>)
    %dma_wait3A_49 = arith.constant 1 : i32
    %dma_wait3A_50 = arith.constant 128 : i32
    %dma_wait3A_51 = arith.constant 0 : i32
    %dma_wait3A_52 = tpu.memref_slice %arg6[%dma_wait3A_50, %dma_wait3A_51] : memref<512x128xf32, #tpu.memory_space<vmem>> -> memref<128x128xf32, #tpu.memory_space<vmem>>
    %dma_wait3A_53 = arith.constant 0 : i32
    %dma_wait3A_54 = tpu.memref_slice %arg5[%dma_wait3A_49, %dma_wait3A_53] : memref<4x128xi32, #tpu.memory_space<vmem>> -> memref<1x128xi32, #tpu.memory_space<vmem>>
    %dma_wait3A_55 = tpu.memref_squeeze %dma_wait3A_54 : memref<1x128xi32, #tpu.memory_space<vmem>> -> memref<128xi32, #tpu.memory_space<vmem>>
    %dma_wait3A_56 = arith.constant 0 : i32
    %dma_wait3A_57 = arith.constant 0 : i32
    %dma_wait3A_58 = tpu.memref_slice %arg2[%dma_wait3A_56, %dma_wait3A_57] : memref<100000x128xf32, #tpu.memory_space<hbm>> -> memref<100000x128xf32, #tpu.memory_space<hbm>>
    tpu.wait_indirect_dma semaphore(%arg8 : memref<!tpu.dma_semaphore, #tpu.memory_space<semaphore_mem>>) src(%dma_wait3A_58 : memref<100000x128xf32, #tpu.memory_space<hbm>>) dst(%dma_wait3A_52 : memref<128x128xf32, #tpu.memory_space<vmem>>)
    %dma_wait3A_59 = arith.constant 2 : i32
    %dma_wait3A_60 = arith.constant 256 : i32
    %dma_wait3A_61 = arith.constant 0 : i32
    %dma_wait3A_62 = tpu.memref_slice %arg6[%dma_wait3A_60, %dma_wait3A_61] : memref<512x128xf32, #tpu.memory_space<vmem>> -> memref<128x128xf32, #tpu.memory_space<vmem>>
    %dma_wait3A_63 = arith.constant 0 : i32
    %dma_wait3A_64 = tpu.memref_slice %arg5[%dma_wait3A_59, %dma_wait3A_63] : memref<4x128xi32, #tpu.memory_space<vmem>> -> memref<1x128xi32, #tpu.memory_space<vmem>>
    %dma_wait3A_65 = tpu.memref_squeeze %dma_wait3A_64 : memref<1x128xi32, #tpu.memory_space<vmem>> -> memref<128xi32, #tpu.memory_space<vmem>>
    %dma_wait3A_66 = arith.constant 0 : i32
    %dma_wait3A_67 = arith.constant 0 : i32
    %dma_wait3A_68 = tpu.memref_slice %arg2[%dma_wait3A_66, %dma_wait3A_67] : memref<100000x128xf32, #tpu.memory_space<hbm>> -> memref<100000x128xf32, #tpu.memory_space<hbm>>
    tpu.wait_indirect_dma semaphore(%arg8 : memref<!tpu.dma_semaphore, #tpu.memory_space<semaphore_mem>>) src(%dma_wait3A_68 : memref<100000x128xf32, #tpu.memory_space<hbm>>) dst(%dma_wait3A_62 : memref<128x128xf32, #tpu.memory_space<vmem>>)
    %dma_wait3A_69 = arith.constant 3 : i32
    %dma_wait3A_70 = arith.constant 384 : i32
    %dma_wait3A_71 = arith.constant 0 : i32
    %dma_wait3A_72 = tpu.memref_slice %arg6[%dma_wait3A_70, %dma_wait3A_71] : memref<512x128xf32, #tpu.memory_space<vmem>> -> memref<128x128xf32, #tpu.memory_space<vmem>>
    %dma_wait3A_73 = arith.constant 0 : i32
    %dma_wait3A_74 = tpu.memref_slice %arg5[%dma_wait3A_69, %dma_wait3A_73] : memref<4x128xi32, #tpu.memory_space<vmem>> -> memref<1x128xi32, #tpu.memory_space<vmem>>
    %dma_wait3A_75 = tpu.memref_squeeze %dma_wait3A_74 : memref<1x128xi32, #tpu.memory_space<vmem>> -> memref<128xi32, #tpu.memory_space<vmem>>
    %dma_wait3A_76 = arith.constant 0 : i32
    %dma_wait3A_77 = arith.constant 0 : i32
    %dma_wait3A_78 = tpu.memref_slice %arg2[%dma_wait3A_76, %dma_wait3A_77] : memref<100000x128xf32, #tpu.memory_space<hbm>> -> memref<100000x128xf32, #tpu.memory_space<hbm>>
    tpu.wait_indirect_dma semaphore(%arg8 : memref<!tpu.dma_semaphore, #tpu.memory_space<semaphore_mem>>) src(%dma_wait3A_78 : memref<100000x128xf32, #tpu.memory_space<hbm>>) dst(%dma_wait3A_72 : memref<128x128xf32, #tpu.memory_space<vmem>>)
    %scan3A = arith.constant 0 : i32
    %scan3A_79 = arith.constant 0 : i32
    %scan3A_80 = arith.constant 128 : i32
    %scan3A_81 = arith.addi %scan3A_79, %scan3A_80 : i32
    %scan3A_82 = arith.constant 1 : i32
    scf.for %scan3A_86 = %scan3A_79 to %scan3A_81 step %scan3A_82  : i32 {
      %mul3A_87 = arith.constant 4 : i32
      %mul3A_88 = arith.muli %mul3A_87, %scan3A_86 : i32
      %get3A = arith.index_cast %mul3A_88 : i32 to index
      %get3A_89 = arith.constant 0 : index
      %get3A_90 = tpu.vector_load %arg6[%get3A, %get3A_89] {strides = array<i32>} : memref<512x128xf32, #tpu.memory_space<vmem>>, vector<1x16xf32>,
      %get3A_91 = vector.shape_cast %get3A_90 : vector<1x16xf32> to vector<16xf32>
      %mul3A_92 = arith.constant 4 : i32
      %mul3A_93 = arith.muli %mul3A_92, %scan3A_86 : i32
      %add3A_94 = arith.constant 1 : i32
      %add3A_95 = arith.addi %mul3A_93, %add3A_94 : i32
      %get3A_96 = arith.index_cast %add3A_95 : i32 to index
      %get3A_97 = arith.constant 0 : index
      %get3A_98 = tpu.vector_load %arg6[%get3A_96, %get3A_97] {strides = array<i32>} : memref<512x128xf32, #tpu.memory_space<vmem>>, vector<1x16xf32>,
      %get3A_99 = vector.shape_cast %get3A_98 : vector<1x16xf32> to vector<16xf32>
      %add3A_100 = arith.addf %get3A_91, %get3A_99 : vector<16xf32>
      %mul3A_101 = arith.constant 4 : i32
      %mul3A_102 = arith.muli %mul3A_101, %scan3A_86 : i32
      %add3A_103 = arith.constant 2 : i32
      %add3A_104 = arith.addi %mul3A_102, %add3A_103 : i32
      %get3A_105 = arith.index_cast %add3A_104 : i32 to index
      %get3A_106 = arith.constant 0 : index
      %get3A_107 = tpu.vector_load %arg6[%get3A_105, %get3A_106] {strides = array<i32>} : memref<512x128xf32, #tpu.memory_space<vmem>>, vector<1x16xf32>,
      %get3A_108 = vector.shape_cast %get3A_107 : vector<1x16xf32> to vector<16xf32>
      %add3A_109 = arith.addf %add3A_100, %get3A_108 : vector<16xf32>
      %mul3A_110 = arith.constant 4 : i32
      %mul3A_111 = arith.muli %mul3A_110, %scan3A_86 : i32
      %add3A_112 = arith.constant 3 : i32
      %add3A_113 = arith.addi %mul3A_111, %add3A_112 : i32
      %get3A_114 = arith.index_cast %add3A_113 : i32 to index
      %get3A_115 = arith.constant 0 : index
      %get3A_116 = tpu.vector_load %arg6[%get3A_114, %get3A_115] {strides = array<i32>} : memref<512x128xf32, #tpu.memory_space<vmem>>, vector<1x16xf32>,
      %get3A_117 = vector.shape_cast %get3A_116 : vector<1x16xf32> to vector<16xf32>
      %add3A_118 = arith.addf %add3A_109, %get3A_117 : vector<16xf32>
      %mul3A_119 = arith.constant 2.500000e-01 : f32
      %mul3A_120 = vector.broadcast %mul3A_119 : f32 to vector<16xf32>
      %mul3A_121 = arith.mulf %add3A_118, %mul3A_120 : vector<16xf32>
      %swap3A = arith.index_cast %scan3A_86 : i32 to index
      %swap3A_122 = arith.constant 0 : index
      %swap3A_123 = tpu.vector_load %arg7[%swap3A, %swap3A_122] {strides = array<i32>} : memref<128x128xf32, #tpu.memory_space<vmem>>, vector<1x16xf32>,
      %swap3A_124 = vector.shape_cast %swap3A_123 : vector<1x16xf32> to vector<16xf32>
      %swap3A_125 = vector.shape_cast %mul3A_121 : vector<16xf32> to vector<1x16xf32>
      tpu.vector_store %arg7[%swap3A, %swap3A_122], %swap3A_125 {strides = array<i32>} : memref<128x128xf32, #tpu.memory_space<vmem>>, vector<1x16xf32>,
      %mul3A_126 = arith.constant 4 : i32
      %mul3A_127 = arith.muli %mul3A_126, %scan3A_86 : i32
      %get3A_128 = arith.index_cast %mul3A_127 : i32 to index
      %get3A_129 = arith.constant 16 : index
      %get3A_130 = tpu.vector_load %arg6[%get3A_128, %get3A_129] {strides = array<i32>} : memref<512x128xf32, #tpu.memory_space<vmem>>, vector<1x16xf32>,
      %get3A_131 = vector.shape_cast %get3A_130 : vector<1x16xf32> to vector<16xf32>
      %mul3A_132 = arith.constant 4 : i32
      %mul3A_133 = arith.muli %mul3A_132, %scan3A_86 : i32
      %add3A_134 = arith.constant 1 : i32
      %add3A_135 = arith.addi %mul3A_133, %add3A_134 : i32
      %get3A_136 = arith.index_cast %add3A_135 : i32 to index
      %get3A_137 = arith.constant 16 : index
      %get3A_138 = tpu.vector_load %arg6[%get3A_136, %get3A_137] {strides = array<i32>} : memref<512x128xf32, #tpu.memory_space<vmem>>, vector<1x16xf32>,
      %get3A_139 = vector.shape_cast %get3A_138 : vector<1x16xf32> to vector<16xf32>
      %add3A_140 = arith.addf %get3A_131, %get3A_139 : vector<16xf32>
      %mul3A_141 = arith.constant 4 : i32
      %mul3A_142 = arith.muli %mul3A_141, %scan3A_86 : i32
      %add3A_143 = arith.constant 2 : i32
      %add3A_144 = arith.addi %mul3A_142, %add3A_143 : i32
      %get3A_145 = arith.index_cast %add3A_144 : i32 to index
      %get3A_146 = arith.constant 16 : index
      %get3A_147 = tpu.vector_load %arg6[%get3A_145, %get3A_146] {strides = array<i32>} : memref<512x128xf32, #tpu.memory_space<vmem>>, vector<1x16xf32>,
      %get3A_148 = vector.shape_cast %get3A_147 : vector<1x16xf32> to vector<16xf32>
      %add3A_149 = arith.addf %add3A_140, %get3A_148 : vector<16xf32>
      %mul3A_150 = arith.constant 4 : i32
      %mul3A_151 = arith.muli %mul3A_150, %scan3A_86 : i32
      %add3A_152 = arith.constant 3 : i32
      %add3A_153 = arith.addi %mul3A_151, %add3A_152 : i32
      %get3A_154 = arith.index_cast %add3A_153 : i32 to index
      %get3A_155 = arith.constant 16 : index
      %get3A_156 = tpu.vector_load %arg6[%get3A_154, %get3A_155] {strides = array<i32>} : memref<512x128xf32, #tpu.memory_space<vmem>>, vector<1x16xf32>,
      %get3A_157 = vector.shape_cast %get3A_156 : vector<1x16xf32> to vector<16xf32>
      %add3A_158 = arith.addf %add3A_149, %get3A_157 : vector<16xf32>
      %mul3A_159 = arith.constant 2.500000e-01 : f32
      %mul3A_160 = vector.broadcast %mul3A_159 : f32 to vector<16xf32>
      %mul3A_161 = arith.mulf %add3A_158, %mul3A_160 : vector<16xf32>
      %swap3A_162 = arith.index_cast %scan3A_86 : i32 to index
      %swap3A_163 = arith.constant 16 : index
      %swap3A_164 = tpu.vector_load %arg7[%swap3A_162, %swap3A_163] {strides = array<i32>} : memref<128x128xf32, #tpu.memory_space<vmem>>, vector<1x16xf32>,
      %swap3A_165 = vector.shape_cast %swap3A_164 : vector<1x16xf32> to vector<16xf32>
      %swap3A_166 = vector.shape_cast %mul3A_161 : vector<16xf32> to vector<1x16xf32>
      tpu.vector_store %arg7[%swap3A_162, %swap3A_163], %swap3A_166 {strides = array<i32>} : memref<128x128xf32, #tpu.memory_space<vmem>>, vector<1x16xf32>,
      %mul3A_167 = arith.constant 4 : i32
      %mul3A_168 = arith.muli %mul3A_167, %scan3A_86 : i32
      %get3A_169 = arith.index_cast %mul3A_168 : i32 to index
      %get3A_170 = arith.constant 32 : index
      %get3A_171 = tpu.vector_load %arg6[%get3A_169, %get3A_170] {strides = array<i32>} : memref<512x128xf32, #tpu.memory_space<vmem>>, vector<1x16xf32>,
      %get3A_172 = vector.shape_cast %get3A_171 : vector<1x16xf32> to vector<16xf32>
      %mul3A_173 = arith.constant 4 : i32
      %mul3A_174 = arith.muli %mul3A_173, %scan3A_86 : i32
      %add3A_175 = arith.constant 1 : i32
      %add3A_176 = arith.addi %mul3A_174, %add3A_175 : i32
      %get3A_177 = arith.index_cast %add3A_176 : i32 to index
      %get3A_178 = arith.constant 32 : index
      %get3A_179 = tpu.vector_load %arg6[%get3A_177, %get3A_178] {strides = array<i32>} : memref<512x128xf32, #tpu.memory_space<vmem>>, vector<1x16xf32>,
      %get3A_180 = vector.shape_cast %get3A_179 : vector<1x16xf32> to vector<16xf32>
      %add3A_181 = arith.addf %get3A_172, %get3A_180 : vector<16xf32>
      %mul3A_182 = arith.constant 4 : i32
      %mul3A_183 = arith.muli %mul3A_182, %scan3A_86 : i32
      %add3A_184 = arith.constant 2 : i32
      %add3A_185 = arith.addi %mul3A_183, %add3A_184 : i32
      %get3A_186 = arith.index_cast %add3A_185 : i32 to index
      %get3A_187 = arith.constant 32 : index
      %get3A_188 = tpu.vector_load %arg6[%get3A_186, %get3A_187] {strides = array<i32>} : memref<512x128xf32, #tpu.memory_space<vmem>>, vector<1x16xf32>,
      %get3A_189 = vector.shape_cast %get3A_188 : vector<1x16xf32> to vector<16xf32>
      %add3A_190 = arith.addf %add3A_181, %get3A_189 : vector<16xf32>
      %mul3A_191 = arith.constant 4 : i32
      %mul3A_192 = arith.muli %mul3A_191, %scan3A_86 : i32
      %add3A_193 = arith.constant 3 : i32
      %add3A_194 = arith.addi %mul3A_192, %add3A_193 : i32
      %get3A_195 = arith.index_cast %add3A_194 : i32 to index
      %get3A_196 = arith.constant 32 : index
      %get3A_197 = tpu.vector_load %arg6[%get3A_195, %get3A_196] {strides = array<i32>} : memref<512x128xf32, #tpu.memory_space<vmem>>, vector<1x16xf32>,
      %get3A_198 = vector.shape_cast %get3A_197 : vector<1x16xf32> to vector<16xf32>
      %add3A_199 = arith.addf %add3A_190, %get3A_198 : vector<16xf32>
      %mul3A_200 = arith.constant 2.500000e-01 : f32
      %mul3A_201 = vector.broadcast %mul3A_200 : f32 to vector<16xf32>
      %mul3A_202 = arith.mulf %add3A_199, %mul3A_201 : vector<16xf32>
      %swap3A_203 = arith.index_cast %scan3A_86 : i32 to index
      %swap3A_204 = arith.constant 32 : index
      %swap3A_205 = tpu.vector_load %arg7[%swap3A_203, %swap3A_204] {strides = array<i32>} : memref<128x128xf32, #tpu.memory_space<vmem>>, vector<1x16xf32>,
      %swap3A_206 = vector.shape_cast %swap3A_205 : vector<1x16xf32> to vector<16xf32>
      %swap3A_207 = vector.shape_cast %mul3A_202 : vector<16xf32> to vector<1x16xf32>
      tpu.vector_store %arg7[%swap3A_203, %swap3A_204], %swap3A_207 {strides = array<i32>} : memref<128x128xf32, #tpu.memory_space<vmem>>, vector<1x16xf32>,
      %mul3A_208 = arith.constant 4 : i32
      %mul3A_209 = arith.muli %mul3A_208, %scan3A_86 : i32
      %get3A_210 = arith.index_cast %mul3A_209 : i32 to index
      %get3A_211 = arith.constant 48 : index
      %get3A_212 = tpu.vector_load %arg6[%get3A_210, %get3A_211] {strides = array<i32>} : memref<512x128xf32, #tpu.memory_space<vmem>>, vector<1x16xf32>,
      %get3A_213 = vector.shape_cast %get3A_212 : vector<1x16xf32> to vector<16xf32>
      %mul3A_214 = arith.constant 4 : i32
      %mul3A_215 = arith.muli %mul3A_214, %scan3A_86 : i32
      %add3A_216 = arith.constant 1 : i32
      %add3A_217 = arith.addi %mul3A_215, %add3A_216 : i32
      %get3A_218 = arith.index_cast %add3A_217 : i32 to index
      %get3A_219 = arith.constant 48 : index
      %get3A_220 = tpu.vector_load %arg6[%get3A_218, %get3A_219] {strides = array<i32>} : memref<512x128xf32, #tpu.memory_space<vmem>>, vector<1x16xf32>,
      %get3A_221 = vector.shape_cast %get3A_220 : vector<1x16xf32> to vector<16xf32>
      %add3A_222 = arith.addf %get3A_213, %get3A_221 : vector<16xf32>
      %mul3A_223 = arith.constant 4 : i32
      %mul3A_224 = arith.muli %mul3A_223, %scan3A_86 : i32
      %add3A_225 = arith.constant 2 : i32
      %add3A_226 = arith.addi %mul3A_224, %add3A_225 : i32
      %get3A_227 = arith.index_cast %add3A_226 : i32 to index
      %get3A_228 = arith.constant 48 : index
      %get3A_229 = tpu.vector_load %arg6[%get3A_227, %get3A_228] {strides = array<i32>} : memref<512x128xf32, #tpu.memory_space<vmem>>, vector<1x16xf32>,
      %get3A_230 = vector.shape_cast %get3A_229 : vector<1x16xf32> to vector<16xf32>
      %add3A_231 = arith.addf %add3A_222, %get3A_230 : vector<16xf32>
      %mul3A_232 = arith.constant 4 : i32
      %mul3A_233 = arith.muli %mul3A_232, %scan3A_86 : i32
      %add3A_234 = arith.constant 3 : i32
      %add3A_235 = arith.addi %mul3A_233, %add3A_234 : i32
      %get3A_236 = arith.index_cast %add3A_235 : i32 to index
      %get3A_237 = arith.constant 48 : index
      %get3A_238 = tpu.vector_load %arg6[%get3A_236, %get3A_237] {strides = array<i32>} : memref<512x128xf32, #tpu.memory_space<vmem>>, vector<1x16xf32>,
      %get3A_239 = vector.shape_cast %get3A_238 : vector<1x16xf32> to vector<16xf32>
      %add3A_240 = arith.addf %add3A_231, %get3A_239 : vector<16xf32>
      %mul3A_241 = arith.constant 2.500000e-01 : f32
      %mul3A_242 = vector.broadcast %mul3A_241 : f32 to vector<16xf32>
      %mul3A_243 = arith.mulf %add3A_240, %mul3A_242 : vector<16xf32>
      %swap3A_244 = arith.index_cast %scan3A_86 : i32 to index
      %swap3A_245 = arith.constant 48 : index
      %swap3A_246 = tpu.vector_load %arg7[%swap3A_244, %swap3A_245] {strides = array<i32>} : memref<128x128xf32, #tpu.memory_space<vmem>>, vector<1x16xf32>,
      %swap3A_247 = vector.shape_cast %swap3A_246 : vector<1x16xf32> to vector<16xf32>
      %swap3A_248 = vector.shape_cast %mul3A_243 : vector<16xf32> to vector<1x16xf32>
      tpu.vector_store %arg7[%swap3A_244, %swap3A_245], %swap3A_248 {strides = array<i32>} : memref<128x128xf32, #tpu.memory_space<vmem>>, vector<1x16xf32>,
      %mul3A_249 = arith.constant 4 : i32
      %mul3A_250 = arith.muli %mul3A_249, %scan3A_86 : i32
      %get3A_251 = arith.index_cast %mul3A_250 : i32 to index
      %get3A_252 = arith.constant 64 : index
      %get3A_253 = tpu.vector_load %arg6[%get3A_251, %get3A_252] {strides = array<i32>} : memref<512x128xf32, #tpu.memory_space<vmem>>, vector<1x16xf32>,
      %get3A_254 = vector.shape_cast %get3A_253 : vector<1x16xf32> to vector<16xf32>
      %mul3A_255 = arith.constant 4 : i32
      %mul3A_256 = arith.muli %mul3A_255, %scan3A_86 : i32
      %add3A_257 = arith.constant 1 : i32
      %add3A_258 = arith.addi %mul3A_256, %add3A_257 : i32
      %get3A_259 = arith.index_cast %add3A_258 : i32 to index
      %get3A_260 = arith.constant 64 : index
      %get3A_261 = tpu.vector_load %arg6[%get3A_259, %get3A_260] {strides = array<i32>} : memref<512x128xf32, #tpu.memory_space<vmem>>, vector<1x16xf32>,
      %get3A_262 = vector.shape_cast %get3A_261 : vector<1x16xf32> to vector<16xf32>
      %add3A_263 = arith.addf %get3A_254, %get3A_262 : vector<16xf32>
      %mul3A_264 = arith.constant 4 : i32
      %mul3A_265 = arith.muli %mul3A_264, %scan3A_86 : i32
      %add3A_266 = arith.constant 2 : i32
      %add3A_267 = arith.addi %mul3A_265, %add3A_266 : i32
      %get3A_268 = arith.index_cast %add3A_267 : i32 to index
      %get3A_269 = arith.constant 64 : index
      %get3A_270 = tpu.vector_load %arg6[%get3A_268, %get3A_269] {strides = array<i32>} : memref<512x128xf32, #tpu.memory_space<vmem>>, vector<1x16xf32>,
      %get3A_271 = vector.shape_cast %get3A_270 : vector<1x16xf32> to vector<16xf32>
      %add3A_272 = arith.addf %add3A_263, %get3A_271 : vector<16xf32>
      %mul3A_273 = arith.constant 4 : i32
      %mul3A_274 = arith.muli %mul3A_273, %scan3A_86 : i32
      %add3A_275 = arith.constant 3 : i32
      %add3A_276 = arith.addi %mul3A_274, %add3A_275 : i32
      %get3A_277 = arith.index_cast %add3A_276 : i32 to index
      %get3A_278 = arith.constant 64 : index
      %get3A_279 = tpu.vector_load %arg6[%get3A_277, %get3A_278] {strides = array<i32>} : memref<512x128xf32, #tpu.memory_space<vmem>>, vector<1x16xf32>,
      %get3A_280 = vector.shape_cast %get3A_279 : vector<1x16xf32> to vector<16xf32>
      %add3A_281 = arith.addf %add3A_272, %get3A_280 : vector<16xf32>
      %mul3A_282 = arith.constant 2.500000e-01 : f32
      %mul3A_283 = vector.broadcast %mul3A_282 : f32 to vector<16xf32>
      %mul3A_284 = arith.mulf %add3A_281, %mul3A_283 : vector<16xf32>
      %swap3A_285 = arith.index_cast %scan3A_86 : i32 to index
      %swap3A_286 = arith.constant 64 : index
      %swap3A_287 = tpu.vector_load %arg7[%swap3A_285, %swap3A_286] {strides = array<i32>} : memref<128x128xf32, #tpu.memory_space<vmem>>, vector<1x16xf32>,
      %swap3A_288 = vector.shape_cast %swap3A_287 : vector<1x16xf32> to vector<16xf32>
      %swap3A_289 = vector.shape_cast %mul3A_284 : vector<16xf32> to vector<1x16xf32>
      tpu.vector_store %arg7[%swap3A_285, %swap3A_286], %swap3A_289 {strides = array<i32>} : memref<128x128xf32, #tpu.memory_space<vmem>>, vector<1x16xf32>,
      %mul3A_290 = arith.constant 4 : i32
      %mul3A_291 = arith.muli %mul3A_290, %scan3A_86 : i32
      %get3A_292 = arith.index_cast %mul3A_291 : i32 to index
      %get3A_293 = arith.constant 80 : index
      %get3A_294 = tpu.vector_load %arg6[%get3A_292, %get3A_293] {strides = array<i32>} : memref<512x128xf32, #tpu.memory_space<vmem>>, vector<1x16xf32>,
      %get3A_295 = vector.shape_cast %get3A_294 : vector<1x16xf32> to vector<16xf32>
      %mul3A_296 = arith.constant 4 : i32
      %mul3A_297 = arith.muli %mul3A_296, %scan3A_86 : i32
      %add3A_298 = arith.constant 1 : i32
      %add3A_299 = arith.addi %mul3A_297, %add3A_298 : i32
      %get3A_300 = arith.index_cast %add3A_299 : i32 to index
      %get3A_301 = arith.constant 80 : index
      %get3A_302 = tpu.vector_load %arg6[%get3A_300, %get3A_301] {strides = array<i32>} : memref<512x128xf32, #tpu.memory_space<vmem>>, vector<1x16xf32>,
      %get3A_303 = vector.shape_cast %get3A_302 : vector<1x16xf32> to vector<16xf32>
      %add3A_304 = arith.addf %get3A_295, %get3A_303 : vector<16xf32>
      %mul3A_305 = arith.constant 4 : i32
      %mul3A_306 = arith.muli %mul3A_305, %scan3A_86 : i32
      %add3A_307 = arith.constant 2 : i32
      %add3A_308 = arith.addi %mul3A_306, %add3A_307 : i32
      %get3A_309 = arith.index_cast %add3A_308 : i32 to index
      %get3A_310 = arith.constant 80 : index
      %get3A_311 = tpu.vector_load %arg6[%get3A_309, %get3A_310] {strides = array<i32>} : memref<512x128xf32, #tpu.memory_space<vmem>>, vector<1x16xf32>,
      %get3A_312 = vector.shape_cast %get3A_311 : vector<1x16xf32> to vector<16xf32>
      %add3A_313 = arith.addf %add3A_304, %get3A_312 : vector<16xf32>
      %mul3A_314 = arith.constant 4 : i32
      %mul3A_315 = arith.muli %mul3A_314, %scan3A_86 : i32
      %add3A_316 = arith.constant 3 : i32
      %add3A_317 = arith.addi %mul3A_315, %add3A_316 : i32
      %get3A_318 = arith.index_cast %add3A_317 : i32 to index
      %get3A_319 = arith.constant 80 : index
      %get3A_320 = tpu.vector_load %arg6[%get3A_318, %get3A_319] {strides = array<i32>} : memref<512x128xf32, #tpu.memory_space<vmem>>, vector<1x16xf32>,
      %get3A_321 = vector.shape_cast %get3A_320 : vector<1x16xf32> to vector<16xf32>
      %add3A_322 = arith.addf %add3A_313, %get3A_321 : vector<16xf32>
      %mul3A_323 = arith.constant 2.500000e-01 : f32
      %mul3A_324 = vector.broadcast %mul3A_323 : f32 to vector<16xf32>
      %mul3A_325 = arith.mulf %add3A_322, %mul3A_324 : vector<16xf32>
      %swap3A_326 = arith.index_cast %scan3A_86 : i32 to index
      %swap3A_327 = arith.constant 80 : index
      %swap3A_328 = tpu.vector_load %arg7[%swap3A_326, %swap3A_327] {strides = array<i32>} : memref<128x128xf32, #tpu.memory_space<vmem>>, vector<1x16xf32>,
      %swap3A_329 = vector.shape_cast %swap3A_328 : vector<1x16xf32> to vector<16xf32>
      %swap3A_330 = vector.shape_cast %mul3A_325 : vector<16xf32> to vector<1x16xf32>
      tpu.vector_store %arg7[%swap3A_326, %swap3A_327], %swap3A_330 {strides = array<i32>} : memref<128x128xf32, #tpu.memory_space<vmem>>, vector<1x16xf32>,
      %mul3A_331 = arith.constant 4 : i32
      %mul3A_332 = arith.muli %mul3A_331, %scan3A_86 : i32
      %get3A_333 = arith.index_cast %mul3A_332 : i32 to index
      %get3A_334 = arith.constant 96 : index
      %get3A_335 = tpu.vector_load %arg6[%get3A_333, %get3A_334] {strides = array<i32>} : memref<512x128xf32, #tpu.memory_space<vmem>>, vector<1x16xf32>,
      %get3A_336 = vector.shape_cast %get3A_335 : vector<1x16xf32> to vector<16xf32>
      %mul3A_337 = arith.constant 4 : i32
      %mul3A_338 = arith.muli %mul3A_337, %scan3A_86 : i32
      %add3A_339 = arith.constant 1 : i32
      %add3A_340 = arith.addi %mul3A_338, %add3A_339 : i32
      %get3A_341 = arith.index_cast %add3A_340 : i32 to index
      %get3A_342 = arith.constant 96 : index
      %get3A_343 = tpu.vector_load %arg6[%get3A_341, %get3A_342] {strides = array<i32>} : memref<512x128xf32, #tpu.memory_space<vmem>>, vector<1x16xf32>,
      %get3A_344 = vector.shape_cast %get3A_343 : vector<1x16xf32> to vector<16xf32>
      %add3A_345 = arith.addf %get3A_336, %get3A_344 : vector<16xf32>
      %mul3A_346 = arith.constant 4 : i32
      %mul3A_347 = arith.muli %mul3A_346, %scan3A_86 : i32
      %add3A_348 = arith.constant 2 : i32
      %add3A_349 = arith.addi %mul3A_347, %add3A_348 : i32
      %get3A_350 = arith.index_cast %add3A_349 : i32 to index
      %get3A_351 = arith.constant 96 : index
      %get3A_352 = tpu.vector_load %arg6[%get3A_350, %get3A_351] {strides = array<i32>} : memref<512x128xf32, #tpu.memory_space<vmem>>, vector<1x16xf32>,
      %get3A_353 = vector.shape_cast %get3A_352 : vector<1x16xf32> to vector<16xf32>
      %add3A_354 = arith.addf %add3A_345, %get3A_353 : vector<16xf32>
      %mul3A_355 = arith.constant 4 : i32
      %mul3A_356 = arith.muli %mul3A_355, %scan3A_86 : i32
      %add3A_357 = arith.constant 3 : i32
      %add3A_358 = arith.addi %mul3A_356, %add3A_357 : i32
      %get3A_359 = arith.index_cast %add3A_358 : i32 to index
      %get3A_360 = arith.constant 96 : index
      %get3A_361 = tpu.vector_load %arg6[%get3A_359, %get3A_360] {strides = array<i32>} : memref<512x128xf32, #tpu.memory_space<vmem>>, vector<1x16xf32>,
      %get3A_362 = vector.shape_cast %get3A_361 : vector<1x16xf32> to vector<16xf32>
      %add3A_363 = arith.addf %add3A_354, %get3A_362 : vector<16xf32>
      %mul3A_364 = arith.constant 2.500000e-01 : f32
      %mul3A_365 = vector.broadcast %mul3A_364 : f32 to vector<16xf32>
      %mul3A_366 = arith.mulf %add3A_363, %mul3A_365 : vector<16xf32>
      %swap3A_367 = arith.index_cast %scan3A_86 : i32 to index
      %swap3A_368 = arith.constant 96 : index
      %swap3A_369 = tpu.vector_load %arg7[%swap3A_367, %swap3A_368] {strides = array<i32>} : memref<128x128xf32, #tpu.memory_space<vmem>>, vector<1x16xf32>,
      %swap3A_370 = vector.shape_cast %swap3A_369 : vector<1x16xf32> to vector<16xf32>
      %swap3A_371 = vector.shape_cast %mul3A_366 : vector<16xf32> to vector<1x16xf32>
      tpu.vector_store %arg7[%swap3A_367, %swap3A_368], %swap3A_371 {strides = array<i32>} : memref<128x128xf32, #tpu.memory_space<vmem>>, vector<1x16xf32>,
      %mul3A_372 = arith.constant 4 : i32
      %mul3A_373 = arith.muli %mul3A_372, %scan3A_86 : i32
      %get3A_374 = arith.index_cast %mul3A_373 : i32 to index
      %get3A_375 = arith.constant 112 : index
      %get3A_376 = tpu.vector_load %arg6[%get3A_374, %get3A_375] {strides = array<i32>} : memref<512x128xf32, #tpu.memory_space<vmem>>, vector<1x16xf32>,
      %get3A_377 = vector.shape_cast %get3A_376 : vector<1x16xf32> to vector<16xf32>
      %mul3A_378 = arith.constant 4 : i32
      %mul3A_379 = arith.muli %mul3A_378, %scan3A_86 : i32
      %add3A_380 = arith.constant 1 : i32
      %add3A_381 = arith.addi %mul3A_379, %add3A_380 : i32
      %get3A_382 = arith.index_cast %add3A_381 : i32 to index
      %get3A_383 = arith.constant 112 : index
      %get3A_384 = tpu.vector_load %arg6[%get3A_382, %get3A_383] {strides = array<i32>} : memref<512x128xf32, #tpu.memory_space<vmem>>, vector<1x16xf32>,
      %get3A_385 = vector.shape_cast %get3A_384 : vector<1x16xf32> to vector<16xf32>
      %add3A_386 = arith.addf %get3A_377, %get3A_385 : vector<16xf32>
      %mul3A_387 = arith.constant 4 : i32
      %mul3A_388 = arith.muli %mul3A_387, %scan3A_86 : i32
      %add3A_389 = arith.constant 2 : i32
      %add3A_390 = arith.addi %mul3A_388, %add3A_389 : i32
      %get3A_391 = arith.index_cast %add3A_390 : i32 to index
      %get3A_392 = arith.constant 112 : index
      %get3A_393 = tpu.vector_load %arg6[%get3A_391, %get3A_392] {strides = array<i32>} : memref<512x128xf32, #tpu.memory_space<vmem>>, vector<1x16xf32>,
      %get3A_394 = vector.shape_cast %get3A_393 : vector<1x16xf32> to vector<16xf32>
      %add3A_395 = arith.addf %add3A_386, %get3A_394 : vector<16xf32>
      %mul3A_396 = arith.constant 4 : i32
      %mul3A_397 = arith.muli %mul3A_396, %scan3A_86 : i32
      %add3A_398 = arith.constant 3 : i32
      %add3A_399 = arith.addi %mul3A_397, %add3A_398 : i32
      %get3A_400 = arith.index_cast %add3A_399 : i32 to index
      %get3A_401 = arith.constant 112 : index
      %get3A_402 = tpu.vector_load %arg6[%get3A_400, %get3A_401] {strides = array<i32>} : memref<512x128xf32, #tpu.memory_space<vmem>>, vector<1x16xf32>,
      %get3A_403 = vector.shape_cast %get3A_402 : vector<1x16xf32> to vector<16xf32>
      %add3A_404 = arith.addf %add3A_395, %get3A_403 : vector<16xf32>
      %mul3A_405 = arith.constant 2.500000e-01 : f32
      %mul3A_406 = vector.broadcast %mul3A_405 : f32 to vector<16xf32>
      %mul3A_407 = arith.mulf %add3A_404, %mul3A_406 : vector<16xf32>
      %swap3A_408 = arith.index_cast %scan3A_86 : i32 to index
      %swap3A_409 = arith.constant 112 : index
      %swap3A_410 = tpu.vector_load %arg7[%swap3A_408, %swap3A_409] {strides = array<i32>} : memref<128x128xf32, #tpu.memory_space<vmem>>, vector<1x16xf32>,
      %swap3A_411 = vector.shape_cast %swap3A_410 : vector<1x16xf32> to vector<16xf32>
      %swap3A_412 = vector.shape_cast %mul3A_407 : vector<16xf32> to vector<1x16xf32>
      tpu.vector_store %arg7[%swap3A_408, %swap3A_409], %swap3A_412 {strides = array<i32>} : memref<128x128xf32, #tpu.memory_space<vmem>>, vector<1x16xf32>,
    }
    %scan3A_83 = arith.constant 128 : i32
    %mul3A_84 = arith.constant 128 : i32
    %mul3A_85 = arith.muli %add3A, %mul3A_84 : i32
    "tpu.region"() ({
      %run_scoped3A = tpu.sem_alloc : memref<!tpu.dma_semaphore, #tpu.memory_space<semaphore_mem>>
      %dma_start3A_86 = arith.constant 0 : i32
      %dma_start3A_87 = tpu.memref_slice %arg4[%mul3A_85, %dma_start3A_86] : memref<4096x128xf32, #tpu.memory_space<hbm>> -> memref<128x128xf32, #tpu.memory_space<hbm>>
      %dma_start3A_88 = arith.constant 0 : i32
      %dma_start3A_89 = tpu.memref_slice %arg4[%mul3A_85, %dma_start3A_88] : memref<4096x128xf32, #tpu.memory_space<hbm>> -> memref<128x128xf32, #tpu.memory_space<hbm>>
      tpu.enqueue_dma source(%arg7 : memref<128x128xf32, #tpu.memory_space<vmem>>) target(%dma_start3A_89 : memref<128x128xf32, #tpu.memory_space<hbm>>) target_semaphore(%run_scoped3A : memref<!tpu.dma_semaphore, #tpu.memory_space<semaphore_mem>>)
      %dma_wait3A_90 = arith.constant 0 : i32
      %dma_wait3A_91 = tpu.memref_slice %arg4[%mul3A_85, %dma_wait3A_90] : memref<4096x128xf32, #tpu.memory_space<hbm>> -> memref<128x128xf32, #tpu.memory_space<hbm>>
      %dma_wait3A_92 = arith.constant 0 : i32
      %dma_wait3A_93 = tpu.memref_slice %arg4[%mul3A_85, %dma_wait3A_92] : memref<4096x128xf32, #tpu.memory_space<hbm>> -> memref<128x128xf32, #tpu.memory_space<hbm>>
      tpu.wait_dma2 semaphore(%run_scoped3A : memref<!tpu.dma_semaphore, #tpu.memory_space<semaphore_mem>>) src(%arg7 : memref<128x128xf32, #tpu.memory_space<vmem>>) dst(%dma_wait3A_93 : memref<128x128xf32, #tpu.memory_space<hbm>>)
      tpu.yield
    }) : () -> ()
    return
  }
}

module attributes {stable_mosaic.version = 14 : i64} {
  func.func @_topk_body(%arg0: i32, %arg1: i32, %arg2: memref<1024x128xf32, #tpu.memory_space<vmem>>, %arg3: memref<1024x1xf32, #tpu.memory_space<vmem>>, %arg4: memref<1x1024xf32, #tpu.memory_space<vmem>>, %arg5: memref<1024x128xf32, #tpu.memory_space<vmem>>, %arg6: memref<1024x4xi32, #tpu.memory_space<vmem>>, %arg7: memref<1024x512xf32, #tpu.memory_space<vmem>>, %arg8: memref<1024x512xi32, #tpu.memory_space<vmem>>) attributes {dimension_semantics = [#tpu.dimension_semantics<parallel>, #tpu.dimension_semantics<arbitrary>], iteration_bounds = array<i64: 4, 98>, scalar_prefetch = 0 : i64, scratch_operands = 2 : i64, tpu.core_type = #tpu.core_type<tc>, window_params = [{transform_indices = @transform_0, window_bounds = array<i64: 1024, 128>}, {transform_indices = @transform_1, window_bounds = array<i64: 1024, 1>}, {transform_indices = @transform_2, window_bounds = array<i64: 1, 1024>}, {transform_indices = @transform_3, window_bounds = array<i64: 1024, 128>}, {transform_indices = @transform_4, window_bounds = array<i64: 1024, 4>}]} {
    %eq3A = arith.constant 0 : i32
    %eq3A_0 = arith.cmpi eq, %arg1, %eq3A : i32
    %convert_element_type3A = arith.extui %eq3A_0 : i1 to i32
    %cond3A = arith.constant 0 : i32
    %cond3A_1 = arith.cmpi ne, %convert_element_type3A, %cond3A : i32
    scf.if %cond3A_1 {
      %broadcast_in_dim3A_257 = arith.constant -3.000000e+00 : f32
      %broadcast_in_dim3A_258 = vector.broadcast %broadcast_in_dim3A_257 : f32 to vector<1024x512xf32>
      %swap3A_259 = arith.constant 0 : index
      %swap3A_260 = arith.constant 0 : index
      %swap3A_261 = vector.load %arg7[%swap3A_259, %swap3A_260] : memref<1024x512xf32, #tpu.memory_space<vmem>>, vector<1024x512xf32>
      tpu.vector_store %arg7[%swap3A_259, %swap3A_260], %broadcast_in_dim3A_258 {strides = array<i32>} : memref<1024x512xf32, #tpu.memory_space<vmem>>, vector<1024x512xf32>,
      %broadcast_in_dim3A_262 = arith.constant 1073741824 : i32
      %broadcast_in_dim3A_263 = vector.broadcast %broadcast_in_dim3A_262 : i32 to vector<1024x512xi32>
      %swap3A_264 = arith.constant 0 : index
      %swap3A_265 = arith.constant 0 : index
      %swap3A_266 = vector.load %arg8[%swap3A_264, %swap3A_265] : memref<1024x512xi32, #tpu.memory_space<vmem>>, vector<1024x512xi32>
      tpu.vector_store %arg8[%swap3A_264, %swap3A_265], %broadcast_in_dim3A_263 {strides = array<i32>} : memref<1024x512xi32, #tpu.memory_space<vmem>>, vector<1024x512xi32>,
    } else {
    }
    %get3A = arith.constant 0 : index
    %get3A_2 = arith.constant 0 : index
    %get3A_3 = vector.load %arg5[%get3A, %get3A_2] : memref<1024x128xf32, #tpu.memory_space<vmem>>, vector<1024x128xf32>
    %get3A_4 = arith.constant 0 : index
    %get3A_5 = arith.constant 0 : index
    %get3A_6 = vector.load %arg2[%get3A_4, %get3A_5] : memref<1024x128xf32, #tpu.memory_space<vmem>>, vector<1024x128xf32>
    %dot_general3A = arith.constant dense<0.000000e+00> : vector<1024x1024xf32>
    %dot_general3A_7 = tpu.matmul %get3A_6, %get3A_3, %dot_general3A {dimension_numbers = #tpu.dot_dimension_numbers<[1], [1], [0], [0], [0, 0, 1, 0], [], []>, transpose_lhs_hint = false} : vector<1024x128xf32>, vector<1024x128xf32>, vector<1024x1024xf32> -> vector<1024x1024xf32>
    %get3A_8 = arith.constant 0 : index
    %get3A_9 = arith.constant 0 : index
    %get3A_10 = vector.load %arg3[%get3A_8, %get3A_9] : memref<1024x1xf32, #tpu.memory_space<vmem>>, vector<1024x1xf32>
    %get3A_11 = arith.constant 0 : index
    %get3A_12 = arith.constant 0 : index
    %get3A_13 = vector.load %arg4[%get3A_11, %get3A_12] : memref<1x1024xf32, #tpu.memory_space<vmem>>, vector<1x1024xf32>
    %mul3A = vector.broadcast %get3A_10 : vector<1024x1xf32> to vector<1024x1024xf32>
    %mul3A_14 = vector.broadcast %get3A_13 : vector<1x1024xf32> to vector<1024x1024xf32>
    %mul3A_15 = arith.mulf %mul3A, %mul3A_14 : vector<1024x1024xf32>
    %max3A = arith.constant 9.99999993E-9 : f32
    %max3A_16 = vector.broadcast %max3A : f32 to vector<1024x1024xf32>
    %max3A_17 = arith.maximumf %mul3A_15, %max3A_16 : vector<1024x1024xf32>
    %div3A = arith.divf %dot_general3A_7, %max3A_17 : vector<1024x1024xf32>
    %iota3A = tpu.iota {dimensions = array<i32: 1>} : vector<1024x1024xi32>
    %mul3A_18 = arith.constant 1024 : i32
    %mul3A_19 = arith.muli %arg1, %mul3A_18 : i32
    %add3A = vector.broadcast %mul3A_19 : i32 to vector<1024x1024xi32>
    %add3A_20 = arith.addi %iota3A, %add3A : vector<1024x1024xi32>
    %lt3A = arith.constant 100000 : i32
    %lt3A_21 = vector.broadcast %lt3A : i32 to vector<1024x1024xi32>
    %lt3A_22 = arith.cmpi slt, %add3A_20, %lt3A_21 : vector<1024x1024xi32>
    %jit3A = arith.constant -3.000000e+00 : f32
    %broadcast_in_dim3A = vector.broadcast %jit3A : f32 to vector<1024x1024xf32>
    %select_n3A = arith.select %lt3A_22, %div3A, %broadcast_in_dim3A : vector<1024x1024xi1>, vector<1024x1024xf32>
    %iota3A_23 = tpu.iota {dimensions = array<i32: 1>} : vector<1024x128xi32>
    %get3A_24 = arith.constant 0 : index
    %get3A_25 = arith.constant 0 : index
    %get3A_26 = vector.load %arg7[%get3A_24, %get3A_25] : memref<1024x512xf32, #tpu.memory_space<vmem>>, vector<1024x128xf32>
    %get3A_27 = arith.constant 0 : index
    %get3A_28 = arith.constant 128 : index
    %get3A_29 = vector.load %arg7[%get3A_27, %get3A_28] : memref<1024x512xf32, #tpu.memory_space<vmem>>, vector<1024x128xf32>
    %get3A_30 = arith.constant 0 : index
    %get3A_31 = arith.constant 256 : index
    %get3A_32 = vector.load %arg7[%get3A_30, %get3A_31] : memref<1024x512xf32, #tpu.memory_space<vmem>>, vector<1024x128xf32>
    %get3A_33 = arith.constant 0 : index
    %get3A_34 = arith.constant 384 : index
    %get3A_35 = vector.load %arg7[%get3A_33, %get3A_34] : memref<1024x512xf32, #tpu.memory_space<vmem>>, vector<1024x128xf32>
    %get3A_36 = arith.constant 0 : index
    %get3A_37 = arith.constant 0 : index
    %get3A_38 = vector.load %arg8[%get3A_36, %get3A_37] : memref<1024x512xi32, #tpu.memory_space<vmem>>, vector<1024x128xi32>
    %get3A_39 = arith.constant 0 : index
    %get3A_40 = arith.constant 128 : index
    %get3A_41 = vector.load %arg8[%get3A_39, %get3A_40] : memref<1024x512xi32, #tpu.memory_space<vmem>>, vector<1024x128xi32>
    %get3A_42 = arith.constant 0 : index
    %get3A_43 = arith.constant 256 : index
    %get3A_44 = vector.load %arg8[%get3A_42, %get3A_43] : memref<1024x512xi32, #tpu.memory_space<vmem>>, vector<1024x128xi32>
    %get3A_45 = arith.constant 0 : index
    %get3A_46 = arith.constant 384 : index
    %get3A_47 = vector.load %arg8[%get3A_45, %get3A_46] : memref<1024x512xi32, #tpu.memory_space<vmem>>, vector<1024x128xi32>
    %slice3A = vector.extract_strided_slice %select_n3A {offsets = [0, 0], sizes = [1024, 128], strides = [1, 1]} : vector<1024x1024xf32> to vector<1024x128xf32>
    %mul3A_48 = arith.constant 1024 : i32
    %mul3A_49 = arith.muli %arg1, %mul3A_48 : i32
    %add3A_50 = arith.constant 0 : i32
    %add3A_51 = arith.addi %mul3A_49, %add3A_50 : i32
    %add3A_52 = vector.broadcast %add3A_51 : i32 to vector<1024x128xi32>
    %add3A_53 = arith.addi %iota3A_23, %add3A_52 : vector<1024x128xi32>
    %ge3A = arith.cmpf oge, %get3A_26, %slice3A : vector<1024x128xf32>
    %ge3A_54 = arith.cmpf oge, %get3A_29, %slice3A : vector<1024x128xf32>
    %ge3A_55 = arith.cmpf oge, %get3A_32, %slice3A : vector<1024x128xf32>
    %ge3A_56 = arith.cmpf oge, %get3A_35, %slice3A : vector<1024x128xf32>
    %select_n3A_57 = arith.select %ge3A, %get3A_26, %slice3A : vector<1024x128xi1>, vector<1024x128xf32>
    %select_n3A_58 = arith.select %ge3A, %get3A_38, %add3A_53 : vector<1024x128xi1>, vector<1024x128xi32>
    %select_n3A_59 = arith.select %ge3A, %slice3A, %get3A_26 : vector<1024x128xi1>, vector<1024x128xf32>
    %select_n3A_60 = arith.select %ge3A, %add3A_53, %get3A_38 : vector<1024x128xi1>, vector<1024x128xi32>
    %select_n3A_61 = arith.select %ge3A_54, %get3A_29, %select_n3A_59 : vector<1024x128xi1>, vector<1024x128xf32>
    %select_n3A_62 = arith.select %ge3A_54, %get3A_41, %select_n3A_60 : vector<1024x128xi1>, vector<1024x128xi32>
    %select_n3A_63 = arith.select %ge3A_54, %select_n3A_59, %get3A_29 : vector<1024x128xi1>, vector<1024x128xf32>
    %select_n3A_64 = arith.select %ge3A_54, %select_n3A_60, %get3A_41 : vector<1024x128xi1>, vector<1024x128xi32>
    %select_n3A_65 = arith.select %ge3A_55, %get3A_32, %select_n3A_63 : vector<1024x128xi1>, vector<1024x128xf32>
    %select_n3A_66 = arith.select %ge3A_55, %get3A_44, %select_n3A_64 : vector<1024x128xi1>, vector<1024x128xi32>
    %select_n3A_67 = arith.select %ge3A_55, %select_n3A_63, %get3A_32 : vector<1024x128xi1>, vector<1024x128xf32>
    %select_n3A_68 = arith.select %ge3A_55, %select_n3A_64, %get3A_44 : vector<1024x128xi1>, vector<1024x128xi32>
    %select_n3A_69 = arith.select %ge3A_56, %get3A_35, %select_n3A_67 : vector<1024x128xi1>, vector<1024x128xf32>
    %select_n3A_70 = arith.select %ge3A_56, %get3A_47, %select_n3A_68 : vector<1024x128xi1>, vector<1024x128xi32>
    %slice3A_71 = vector.extract_strided_slice %select_n3A {offsets = [0, 128], sizes = [1024, 128], strides = [1, 1]} : vector<1024x1024xf32> to vector<1024x128xf32>
    %mul3A_72 = arith.constant 1024 : i32
    %mul3A_73 = arith.muli %arg1, %mul3A_72 : i32
    %add3A_74 = arith.constant 128 : i32
    %add3A_75 = arith.addi %mul3A_73, %add3A_74 : i32
    %add3A_76 = vector.broadcast %add3A_75 : i32 to vector<1024x128xi32>
    %add3A_77 = arith.addi %iota3A_23, %add3A_76 : vector<1024x128xi32>
    %ge3A_78 = arith.cmpf oge, %select_n3A_57, %slice3A_71 : vector<1024x128xf32>
    %ge3A_79 = arith.cmpf oge, %select_n3A_61, %slice3A_71 : vector<1024x128xf32>
    %ge3A_80 = arith.cmpf oge, %select_n3A_65, %slice3A_71 : vector<1024x128xf32>
    %ge3A_81 = arith.cmpf oge, %select_n3A_69, %slice3A_71 : vector<1024x128xf32>
    %select_n3A_82 = arith.select %ge3A_78, %select_n3A_57, %slice3A_71 : vector<1024x128xi1>, vector<1024x128xf32>
    %select_n3A_83 = arith.select %ge3A_78, %select_n3A_58, %add3A_77 : vector<1024x128xi1>, vector<1024x128xi32>
    %select_n3A_84 = arith.select %ge3A_78, %slice3A_71, %select_n3A_57 : vector<1024x128xi1>, vector<1024x128xf32>
    %select_n3A_85 = arith.select %ge3A_78, %add3A_77, %select_n3A_58 : vector<1024x128xi1>, vector<1024x128xi32>
    %select_n3A_86 = arith.select %ge3A_79, %select_n3A_61, %select_n3A_84 : vector<1024x128xi1>, vector<1024x128xf32>
    %select_n3A_87 = arith.select %ge3A_79, %select_n3A_62, %select_n3A_85 : vector<1024x128xi1>, vector<1024x128xi32>
    %select_n3A_88 = arith.select %ge3A_79, %select_n3A_84, %select_n3A_61 : vector<1024x128xi1>, vector<1024x128xf32>
    %select_n3A_89 = arith.select %ge3A_79, %select_n3A_85, %select_n3A_62 : vector<1024x128xi1>, vector<1024x128xi32>
    %select_n3A_90 = arith.select %ge3A_80, %select_n3A_65, %select_n3A_88 : vector<1024x128xi1>, vector<1024x128xf32>
    %select_n3A_91 = arith.select %ge3A_80, %select_n3A_66, %select_n3A_89 : vector<1024x128xi1>, vector<1024x128xi32>
    %select_n3A_92 = arith.select %ge3A_80, %select_n3A_88, %select_n3A_65 : vector<1024x128xi1>, vector<1024x128xf32>
    %select_n3A_93 = arith.select %ge3A_80, %select_n3A_89, %select_n3A_66 : vector<1024x128xi1>, vector<1024x128xi32>
    %select_n3A_94 = arith.select %ge3A_81, %select_n3A_69, %select_n3A_92 : vector<1024x128xi1>, vector<1024x128xf32>
    %select_n3A_95 = arith.select %ge3A_81, %select_n3A_70, %select_n3A_93 : vector<1024x128xi1>, vector<1024x128xi32>
    %slice3A_96 = vector.extract_strided_slice %select_n3A {offsets = [0, 256], sizes = [1024, 128], strides = [1, 1]} : vector<1024x1024xf32> to vector<1024x128xf32>
    %mul3A_97 = arith.constant 1024 : i32
    %mul3A_98 = arith.muli %arg1, %mul3A_97 : i32
    %add3A_99 = arith.constant 256 : i32
    %add3A_100 = arith.addi %mul3A_98, %add3A_99 : i32
    %add3A_101 = vector.broadcast %add3A_100 : i32 to vector<1024x128xi32>
    %add3A_102 = arith.addi %iota3A_23, %add3A_101 : vector<1024x128xi32>
    %ge3A_103 = arith.cmpf oge, %select_n3A_82, %slice3A_96 : vector<1024x128xf32>
    %ge3A_104 = arith.cmpf oge, %select_n3A_86, %slice3A_96 : vector<1024x128xf32>
    %ge3A_105 = arith.cmpf oge, %select_n3A_90, %slice3A_96 : vector<1024x128xf32>
    %ge3A_106 = arith.cmpf oge, %select_n3A_94, %slice3A_96 : vector<1024x128xf32>
    %select_n3A_107 = arith.select %ge3A_103, %select_n3A_82, %slice3A_96 : vector<1024x128xi1>, vector<1024x128xf32>
    %select_n3A_108 = arith.select %ge3A_103, %select_n3A_83, %add3A_102 : vector<1024x128xi1>, vector<1024x128xi32>
    %select_n3A_109 = arith.select %ge3A_103, %slice3A_96, %select_n3A_82 : vector<1024x128xi1>, vector<1024x128xf32>
    %select_n3A_110 = arith.select %ge3A_103, %add3A_102, %select_n3A_83 : vector<1024x128xi1>, vector<1024x128xi32>
    %select_n3A_111 = arith.select %ge3A_104, %select_n3A_86, %select_n3A_109 : vector<1024x128xi1>, vector<1024x128xf32>
    %select_n3A_112 = arith.select %ge3A_104, %select_n3A_87, %select_n3A_110 : vector<1024x128xi1>, vector<1024x128xi32>
    %select_n3A_113 = arith.select %ge3A_104, %select_n3A_109, %select_n3A_86 : vector<1024x128xi1>, vector<1024x128xf32>
    %select_n3A_114 = arith.select %ge3A_104, %select_n3A_110, %select_n3A_87 : vector<1024x128xi1>, vector<1024x128xi32>
    %select_n3A_115 = arith.select %ge3A_105, %select_n3A_90, %select_n3A_113 : vector<1024x128xi1>, vector<1024x128xf32>
    %select_n3A_116 = arith.select %ge3A_105, %select_n3A_91, %select_n3A_114 : vector<1024x128xi1>, vector<1024x128xi32>
    %select_n3A_117 = arith.select %ge3A_105, %select_n3A_113, %select_n3A_90 : vector<1024x128xi1>, vector<1024x128xf32>
    %select_n3A_118 = arith.select %ge3A_105, %select_n3A_114, %select_n3A_91 : vector<1024x128xi1>, vector<1024x128xi32>
    %select_n3A_119 = arith.select %ge3A_106, %select_n3A_94, %select_n3A_117 : vector<1024x128xi1>, vector<1024x128xf32>
    %select_n3A_120 = arith.select %ge3A_106, %select_n3A_95, %select_n3A_118 : vector<1024x128xi1>, vector<1024x128xi32>
    %slice3A_121 = vector.extract_strided_slice %select_n3A {offsets = [0, 384], sizes = [1024, 128], strides = [1, 1]} : vector<1024x1024xf32> to vector<1024x128xf32>
    %mul3A_122 = arith.constant 1024 : i32
    %mul3A_123 = arith.muli %arg1, %mul3A_122 : i32
    %add3A_124 = arith.constant 384 : i32
    %add3A_125 = arith.addi %mul3A_123, %add3A_124 : i32
    %add3A_126 = vector.broadcast %add3A_125 : i32 to vector<1024x128xi32>
    %add3A_127 = arith.addi %iota3A_23, %add3A_126 : vector<1024x128xi32>
    %ge3A_128 = arith.cmpf oge, %select_n3A_107, %slice3A_121 : vector<1024x128xf32>
    %ge3A_129 = arith.cmpf oge, %select_n3A_111, %slice3A_121 : vector<1024x128xf32>
    %ge3A_130 = arith.cmpf oge, %select_n3A_115, %slice3A_121 : vector<1024x128xf32>
    %ge3A_131 = arith.cmpf oge, %select_n3A_119, %slice3A_121 : vector<1024x128xf32>
    %select_n3A_132 = arith.select %ge3A_128, %select_n3A_107, %slice3A_121 : vector<1024x128xi1>, vector<1024x128xf32>
    %select_n3A_133 = arith.select %ge3A_128, %select_n3A_108, %add3A_127 : vector<1024x128xi1>, vector<1024x128xi32>
    %select_n3A_134 = arith.select %ge3A_128, %slice3A_121, %select_n3A_107 : vector<1024x128xi1>, vector<1024x128xf32>
    %select_n3A_135 = arith.select %ge3A_128, %add3A_127, %select_n3A_108 : vector<1024x128xi1>, vector<1024x128xi32>
    %select_n3A_136 = arith.select %ge3A_129, %select_n3A_111, %select_n3A_134 : vector<1024x128xi1>, vector<1024x128xf32>
    %select_n3A_137 = arith.select %ge3A_129, %select_n3A_112, %select_n3A_135 : vector<1024x128xi1>, vector<1024x128xi32>
    %select_n3A_138 = arith.select %ge3A_129, %select_n3A_134, %select_n3A_111 : vector<1024x128xi1>, vector<1024x128xf32>
    %select_n3A_139 = arith.select %ge3A_129, %select_n3A_135, %select_n3A_112 : vector<1024x128xi1>, vector<1024x128xi32>
    %select_n3A_140 = arith.select %ge3A_130, %select_n3A_115, %select_n3A_138 : vector<1024x128xi1>, vector<1024x128xf32>
    %select_n3A_141 = arith.select %ge3A_130, %select_n3A_116, %select_n3A_139 : vector<1024x128xi1>, vector<1024x128xi32>
    %select_n3A_142 = arith.select %ge3A_130, %select_n3A_138, %select_n3A_115 : vector<1024x128xi1>, vector<1024x128xf32>
    %select_n3A_143 = arith.select %ge3A_130, %select_n3A_139, %select_n3A_116 : vector<1024x128xi1>, vector<1024x128xi32>
    %select_n3A_144 = arith.select %ge3A_131, %select_n3A_119, %select_n3A_142 : vector<1024x128xi1>, vector<1024x128xf32>
    %select_n3A_145 = arith.select %ge3A_131, %select_n3A_120, %select_n3A_143 : vector<1024x128xi1>, vector<1024x128xi32>
    %slice3A_146 = vector.extract_strided_slice %select_n3A {offsets = [0, 512], sizes = [1024, 128], strides = [1, 1]} : vector<1024x1024xf32> to vector<1024x128xf32>
    %mul3A_147 = arith.constant 1024 : i32
    %mul3A_148 = arith.muli %arg1, %mul3A_147 : i32
    %add3A_149 = arith.constant 512 : i32
    %add3A_150 = arith.addi %mul3A_148, %add3A_149 : i32
    %add3A_151 = vector.broadcast %add3A_150 : i32 to vector<1024x128xi32>
    %add3A_152 = arith.addi %iota3A_23, %add3A_151 : vector<1024x128xi32>
    %ge3A_153 = arith.cmpf oge, %select_n3A_132, %slice3A_146 : vector<1024x128xf32>
    %ge3A_154 = arith.cmpf oge, %select_n3A_136, %slice3A_146 : vector<1024x128xf32>
    %ge3A_155 = arith.cmpf oge, %select_n3A_140, %slice3A_146 : vector<1024x128xf32>
    %ge3A_156 = arith.cmpf oge, %select_n3A_144, %slice3A_146 : vector<1024x128xf32>
    %select_n3A_157 = arith.select %ge3A_153, %select_n3A_132, %slice3A_146 : vector<1024x128xi1>, vector<1024x128xf32>
    %select_n3A_158 = arith.select %ge3A_153, %select_n3A_133, %add3A_152 : vector<1024x128xi1>, vector<1024x128xi32>
    %select_n3A_159 = arith.select %ge3A_153, %slice3A_146, %select_n3A_132 : vector<1024x128xi1>, vector<1024x128xf32>
    %select_n3A_160 = arith.select %ge3A_153, %add3A_152, %select_n3A_133 : vector<1024x128xi1>, vector<1024x128xi32>
    %select_n3A_161 = arith.select %ge3A_154, %select_n3A_136, %select_n3A_159 : vector<1024x128xi1>, vector<1024x128xf32>
    %select_n3A_162 = arith.select %ge3A_154, %select_n3A_137, %select_n3A_160 : vector<1024x128xi1>, vector<1024x128xi32>
    %select_n3A_163 = arith.select %ge3A_154, %select_n3A_159, %select_n3A_136 : vector<1024x128xi1>, vector<1024x128xf32>
    %select_n3A_164 = arith.select %ge3A_154, %select_n3A_160, %select_n3A_137 : vector<1024x128xi1>, vector<1024x128xi32>
    %select_n3A_165 = arith.select %ge3A_155, %select_n3A_140, %select_n3A_163 : vector<1024x128xi1>, vector<1024x128xf32>
    %select_n3A_166 = arith.select %ge3A_155, %select_n3A_141, %select_n3A_164 : vector<1024x128xi1>, vector<1024x128xi32>
    %select_n3A_167 = arith.select %ge3A_155, %select_n3A_163, %select_n3A_140 : vector<1024x128xi1>, vector<1024x128xf32>
    %select_n3A_168 = arith.select %ge3A_155, %select_n3A_164, %select_n3A_141 : vector<1024x128xi1>, vector<1024x128xi32>
    %select_n3A_169 = arith.select %ge3A_156, %select_n3A_144, %select_n3A_167 : vector<1024x128xi1>, vector<1024x128xf32>
    %select_n3A_170 = arith.select %ge3A_156, %select_n3A_145, %select_n3A_168 : vector<1024x128xi1>, vector<1024x128xi32>
    %slice3A_171 = vector.extract_strided_slice %select_n3A {offsets = [0, 640], sizes = [1024, 128], strides = [1, 1]} : vector<1024x1024xf32> to vector<1024x128xf32>
    %mul3A_172 = arith.constant 1024 : i32
    %mul3A_173 = arith.muli %arg1, %mul3A_172 : i32
    %add3A_174 = arith.constant 640 : i32
    %add3A_175 = arith.addi %mul3A_173, %add3A_174 : i32
    %add3A_176 = vector.broadcast %add3A_175 : i32 to vector<1024x128xi32>
    %add3A_177 = arith.addi %iota3A_23, %add3A_176 : vector<1024x128xi32>
    %ge3A_178 = arith.cmpf oge, %select_n3A_157, %slice3A_171 : vector<1024x128xf32>
    %ge3A_179 = arith.cmpf oge, %select_n3A_161, %slice3A_171 : vector<1024x128xf32>
    %ge3A_180 = arith.cmpf oge, %select_n3A_165, %slice3A_171 : vector<1024x128xf32>
    %ge3A_181 = arith.cmpf oge, %select_n3A_169, %slice3A_171 : vector<1024x128xf32>
    %select_n3A_182 = arith.select %ge3A_178, %select_n3A_157, %slice3A_171 : vector<1024x128xi1>, vector<1024x128xf32>
    %select_n3A_183 = arith.select %ge3A_178, %select_n3A_158, %add3A_177 : vector<1024x128xi1>, vector<1024x128xi32>
    %select_n3A_184 = arith.select %ge3A_178, %slice3A_171, %select_n3A_157 : vector<1024x128xi1>, vector<1024x128xf32>
    %select_n3A_185 = arith.select %ge3A_178, %add3A_177, %select_n3A_158 : vector<1024x128xi1>, vector<1024x128xi32>
    %select_n3A_186 = arith.select %ge3A_179, %select_n3A_161, %select_n3A_184 : vector<1024x128xi1>, vector<1024x128xf32>
    %select_n3A_187 = arith.select %ge3A_179, %select_n3A_162, %select_n3A_185 : vector<1024x128xi1>, vector<1024x128xi32>
    %select_n3A_188 = arith.select %ge3A_179, %select_n3A_184, %select_n3A_161 : vector<1024x128xi1>, vector<1024x128xf32>
    %select_n3A_189 = arith.select %ge3A_179, %select_n3A_185, %select_n3A_162 : vector<1024x128xi1>, vector<1024x128xi32>
    %select_n3A_190 = arith.select %ge3A_180, %select_n3A_165, %select_n3A_188 : vector<1024x128xi1>, vector<1024x128xf32>
    %select_n3A_191 = arith.select %ge3A_180, %select_n3A_166, %select_n3A_189 : vector<1024x128xi1>, vector<1024x128xi32>
    %select_n3A_192 = arith.select %ge3A_180, %select_n3A_188, %select_n3A_165 : vector<1024x128xi1>, vector<1024x128xf32>
    %select_n3A_193 = arith.select %ge3A_180, %select_n3A_189, %select_n3A_166 : vector<1024x128xi1>, vector<1024x128xi32>
    %select_n3A_194 = arith.select %ge3A_181, %select_n3A_169, %select_n3A_192 : vector<1024x128xi1>, vector<1024x128xf32>
    %select_n3A_195 = arith.select %ge3A_181, %select_n3A_170, %select_n3A_193 : vector<1024x128xi1>, vector<1024x128xi32>
    %slice3A_196 = vector.extract_strided_slice %select_n3A {offsets = [0, 768], sizes = [1024, 128], strides = [1, 1]} : vector<1024x1024xf32> to vector<1024x128xf32>
    %mul3A_197 = arith.constant 1024 : i32
    %mul3A_198 = arith.muli %arg1, %mul3A_197 : i32
    %add3A_199 = arith.constant 768 : i32
    %add3A_200 = arith.addi %mul3A_198, %add3A_199 : i32
    %add3A_201 = vector.broadcast %add3A_200 : i32 to vector<1024x128xi32>
    %add3A_202 = arith.addi %iota3A_23, %add3A_201 : vector<1024x128xi32>
    %ge3A_203 = arith.cmpf oge, %select_n3A_182, %slice3A_196 : vector<1024x128xf32>
    %ge3A_204 = arith.cmpf oge, %select_n3A_186, %slice3A_196 : vector<1024x128xf32>
    %ge3A_205 = arith.cmpf oge, %select_n3A_190, %slice3A_196 : vector<1024x128xf32>
    %ge3A_206 = arith.cmpf oge, %select_n3A_194, %slice3A_196 : vector<1024x128xf32>
    %select_n3A_207 = arith.select %ge3A_203, %select_n3A_182, %slice3A_196 : vector<1024x128xi1>, vector<1024x128xf32>
    %select_n3A_208 = arith.select %ge3A_203, %select_n3A_183, %add3A_202 : vector<1024x128xi1>, vector<1024x128xi32>
    %select_n3A_209 = arith.select %ge3A_203, %slice3A_196, %select_n3A_182 : vector<1024x128xi1>, vector<1024x128xf32>
    %select_n3A_210 = arith.select %ge3A_203, %add3A_202, %select_n3A_183 : vector<1024x128xi1>, vector<1024x128xi32>
    %select_n3A_211 = arith.select %ge3A_204, %select_n3A_186, %select_n3A_209 : vector<1024x128xi1>, vector<1024x128xf32>
    %select_n3A_212 = arith.select %ge3A_204, %select_n3A_187, %select_n3A_210 : vector<1024x128xi1>, vector<1024x128xi32>
    %select_n3A_213 = arith.select %ge3A_204, %select_n3A_209, %select_n3A_186 : vector<1024x128xi1>, vector<1024x128xf32>
    %select_n3A_214 = arith.select %ge3A_204, %select_n3A_210, %select_n3A_187 : vector<1024x128xi1>, vector<1024x128xi32>
    %select_n3A_215 = arith.select %ge3A_205, %select_n3A_190, %select_n3A_213 : vector<1024x128xi1>, vector<1024x128xf32>
    %select_n3A_216 = arith.select %ge3A_205, %select_n3A_191, %select_n3A_214 : vector<1024x128xi1>, vector<1024x128xi32>
    %select_n3A_217 = arith.select %ge3A_205, %select_n3A_213, %select_n3A_190 : vector<1024x128xi1>, vector<1024x128xf32>
    %select_n3A_218 = arith.select %ge3A_205, %select_n3A_214, %select_n3A_191 : vector<1024x128xi1>, vector<1024x128xi32>
    %select_n3A_219 = arith.select %ge3A_206, %select_n3A_194, %select_n3A_217 : vector<1024x128xi1>, vector<1024x128xf32>
    %select_n3A_220 = arith.select %ge3A_206, %select_n3A_195, %select_n3A_218 : vector<1024x128xi1>, vector<1024x128xi32>
    %slice3A_221 = vector.extract_strided_slice %select_n3A {offsets = [0, 896], sizes = [1024, 128], strides = [1, 1]} : vector<1024x1024xf32> to vector<1024x128xf32>
    %mul3A_222 = arith.constant 1024 : i32
    %mul3A_223 = arith.muli %arg1, %mul3A_222 : i32
    %add3A_224 = arith.constant 896 : i32
    %add3A_225 = arith.addi %mul3A_223, %add3A_224 : i32
    %add3A_226 = vector.broadcast %add3A_225 : i32 to vector<1024x128xi32>
    %add3A_227 = arith.addi %iota3A_23, %add3A_226 : vector<1024x128xi32>
    %ge3A_228 = arith.cmpf oge, %select_n3A_207, %slice3A_221 : vector<1024x128xf32>
    %ge3A_229 = arith.cmpf oge, %select_n3A_211, %slice3A_221 : vector<1024x128xf32>
    %ge3A_230 = arith.cmpf oge, %select_n3A_215, %slice3A_221 : vector<1024x128xf32>
    %ge3A_231 = arith.cmpf oge, %select_n3A_219, %slice3A_221 : vector<1024x128xf32>
    %select_n3A_232 = arith.select %ge3A_228, %select_n3A_207, %slice3A_221 : vector<1024x128xi1>, vector<1024x128xf32>
    %select_n3A_233 = arith.select %ge3A_228, %select_n3A_208, %add3A_227 : vector<1024x128xi1>, vector<1024x128xi32>
    %select_n3A_234 = arith.select %ge3A_228, %slice3A_221, %select_n3A_207 : vector<1024x128xi1>, vector<1024x128xf32>
    %select_n3A_235 = arith.select %ge3A_228, %add3A_227, %select_n3A_208 : vector<1024x128xi1>, vector<1024x128xi32>
    %select_n3A_236 = arith.select %ge3A_229, %select_n3A_211, %select_n3A_234 : vector<1024x128xi1>, vector<1024x128xf32>
    %select_n3A_237 = arith.select %ge3A_229, %select_n3A_212, %select_n3A_235 : vector<1024x128xi1>, vector<1024x128xi32>
    %select_n3A_238 = arith.select %ge3A_229, %select_n3A_234, %select_n3A_211 : vector<1024x128xi1>, vector<1024x128xf32>
    %select_n3A_239 = arith.select %ge3A_229, %select_n3A_235, %select_n3A_212 : vector<1024x128xi1>, vector<1024x128xi32>
    %select_n3A_240 = arith.select %ge3A_230, %select_n3A_215, %select_n3A_238 : vector<1024x128xi1>, vector<1024x128xf32>
    %select_n3A_241 = arith.select %ge3A_230, %select_n3A_216, %select_n3A_239 : vector<1024x128xi1>, vector<1024x128xi32>
    %select_n3A_242 = arith.select %ge3A_230, %select_n3A_238, %select_n3A_215 : vector<1024x128xi1>, vector<1024x128xf32>
    %select_n3A_243 = arith.select %ge3A_230, %select_n3A_239, %select_n3A_216 : vector<1024x128xi1>, vector<1024x128xi32>
    %select_n3A_244 = arith.select %ge3A_231, %select_n3A_219, %select_n3A_242 : vector<1024x128xi1>, vector<1024x128xf32>
    %select_n3A_245 = arith.select %ge3A_231, %select_n3A_220, %select_n3A_243 : vector<1024x128xi1>, vector<1024x128xi32>
    %concatenate3A = tpu.concatenate %select_n3A_232, %select_n3A_236, %select_n3A_240, %select_n3A_244 in 1 : vector<1024x128xf32>, vector<1024x128xf32>, vector<1024x128xf32>, vector<1024x128xf32> -> vector<1024x512xf32>
    %swap3A = arith.constant 0 : index
    %swap3A_246 = arith.constant 0 : index
    %swap3A_247 = vector.load %arg7[%swap3A, %swap3A_246] : memref<1024x512xf32, #tpu.memory_space<vmem>>, vector<1024x512xf32>
    tpu.vector_store %arg7[%swap3A, %swap3A_246], %concatenate3A {strides = array<i32>} : memref<1024x512xf32, #tpu.memory_space<vmem>>, vector<1024x512xf32>,
    %concatenate3A_248 = tpu.concatenate %select_n3A_233, %select_n3A_237, %select_n3A_241, %select_n3A_245 in 1 : vector<1024x128xi32>, vector<1024x128xi32>, vector<1024x128xi32>, vector<1024x128xi32> -> vector<1024x512xi32>
    %swap3A_249 = arith.constant 0 : index
    %swap3A_250 = arith.constant 0 : index
    %swap3A_251 = vector.load %arg8[%swap3A_249, %swap3A_250] : memref<1024x512xi32, #tpu.memory_space<vmem>>, vector<1024x512xi32>
    tpu.vector_store %arg8[%swap3A_249, %swap3A_250], %concatenate3A_248 {strides = array<i32>} : memref<1024x512xi32, #tpu.memory_space<vmem>>, vector<1024x512xi32>,
    %eq3A_252 = arith.constant 97 : i32
    %eq3A_253 = arith.cmpi eq, %arg1, %eq3A_252 : i32
    %convert_element_type3A_254 = arith.extui %eq3A_253 : i1 to i32
    %cond3A_255 = arith.constant 0 : i32
    %cond3A_256 = arith.cmpi ne, %convert_element_type3A_254, %cond3A_255 : i32
    scf.if %cond3A_256 {
      %concatenate3A_257 = tpu.concatenate %select_n3A_232, %select_n3A_236, %select_n3A_240, %select_n3A_244 in 1 : vector<1024x128xf32>, vector<1024x128xf32>, vector<1024x128xf32>, vector<1024x128xf32> -> vector<1024x512xf32>
      %concatenate3A_258 = tpu.concatenate %select_n3A_233, %select_n3A_237, %select_n3A_241, %select_n3A_245 in 1 : vector<1024x128xi32>, vector<1024x128xi32>, vector<1024x128xi32>, vector<1024x128xi32> -> vector<1024x512xi32>
      %reduce_max3A = arith.constant dense<0xFF800000> : vector<1024xf32>
      %reduce_max3A_259 = vector.multi_reduction <maximumf>, %concatenate3A_257, %reduce_max3A [1] : vector<1024x512xf32> to vector<1024xf32>
      %broadcast_in_dim3A_260 = vector.shape_cast %reduce_max3A_259 : vector<1024xf32> to vector<1024x1xf32>
      %eq3A_261 = vector.broadcast %broadcast_in_dim3A_260 : vector<1024x1xf32> to vector<1024x512xf32>
      %eq3A_262 = arith.cmpf oeq, %concatenate3A_257, %eq3A_261 : vector<1024x512xf32>
      %jit3A_263 = arith.constant 1073741824 : i32
      %broadcast_in_dim3A_264 = vector.broadcast %jit3A_263 : i32 to vector<1024x512xi32>
      %select_n3A_265 = arith.select %eq3A_262, %concatenate3A_258, %broadcast_in_dim3A_264 : vector<1024x512xi1>, vector<1024x512xi32>
      %reduce_min3A = arith.constant dense<2147483647> : vector<1024xi32>
      %reduce_min3A_266 = vector.multi_reduction <minsi>, %select_n3A_265, %reduce_min3A [1] : vector<1024x512xi32> to vector<1024xi32>
      %broadcast_in_dim3A_267 = vector.shape_cast %reduce_min3A_266 : vector<1024xi32> to vector<1024x1xi32>
      %eq3A_268 = vector.broadcast %broadcast_in_dim3A_267 : vector<1024x1xi32> to vector<1024x512xi32>
      %eq3A_269 = arith.cmpi eq, %concatenate3A_258, %eq3A_268 : vector<1024x512xi32>
      %jit3A_270 = arith.constant -3.000000e+00 : f32
      %broadcast_in_dim3A_271 = vector.broadcast %jit3A_270 : f32 to vector<1024x512xf32>
      %select_n3A_272 = arith.select %eq3A_269, %broadcast_in_dim3A_271, %concatenate3A_257 : vector<1024x512xi1>, vector<1024x512xf32>
      %reduce_max3A_273 = arith.constant dense<0xFF800000> : vector<1024xf32>
      %reduce_max3A_274 = vector.multi_reduction <maximumf>, %select_n3A_272, %reduce_max3A_273 [1] : vector<1024x512xf32> to vector<1024xf32>
      %broadcast_in_dim3A_275 = vector.shape_cast %reduce_max3A_274 : vector<1024xf32> to vector<1024x1xf32>
      %eq3A_276 = vector.broadcast %broadcast_in_dim3A_275 : vector<1024x1xf32> to vector<1024x512xf32>
      %eq3A_277 = arith.cmpf oeq, %select_n3A_272, %eq3A_276 : vector<1024x512xf32>
      %jit3A_278 = arith.constant 1073741824 : i32
      %broadcast_in_dim3A_279 = vector.broadcast %jit3A_278 : i32 to vector<1024x512xi32>
      %select_n3A_280 = arith.select %eq3A_277, %concatenate3A_258, %broadcast_in_dim3A_279 : vector<1024x512xi1>, vector<1024x512xi32>
      %reduce_min3A_281 = arith.constant dense<2147483647> : vector<1024xi32>
      %reduce_min3A_282 = vector.multi_reduction <minsi>, %select_n3A_280, %reduce_min3A_281 [1] : vector<1024x512xi32> to vector<1024xi32>
      %broadcast_in_dim3A_283 = vector.shape_cast %reduce_min3A_282 : vector<1024xi32> to vector<1024x1xi32>
      %eq3A_284 = vector.broadcast %broadcast_in_dim3A_283 : vector<1024x1xi32> to vector<1024x512xi32>
      %eq3A_285 = arith.cmpi eq, %concatenate3A_258, %eq3A_284 : vector<1024x512xi32>
      %jit3A_286 = arith.constant -3.000000e+00 : f32
      %broadcast_in_dim3A_287 = vector.broadcast %jit3A_286 : f32 to vector<1024x512xf32>
      %select_n3A_288 = arith.select %eq3A_285, %broadcast_in_dim3A_287, %select_n3A_272 : vector<1024x512xi1>, vector<1024x512xf32>
      %reduce_max3A_289 = arith.constant dense<0xFF800000> : vector<1024xf32>
      %reduce_max3A_290 = vector.multi_reduction <maximumf>, %select_n3A_288, %reduce_max3A_289 [1] : vector<1024x512xf32> to vector<1024xf32>
      %broadcast_in_dim3A_291 = vector.shape_cast %reduce_max3A_290 : vector<1024xf32> to vector<1024x1xf32>
      %eq3A_292 = vector.broadcast %broadcast_in_dim3A_291 : vector<1024x1xf32> to vector<1024x512xf32>
      %eq3A_293 = arith.cmpf oeq, %select_n3A_288, %eq3A_292 : vector<1024x512xf32>
      %jit3A_294 = arith.constant 1073741824 : i32
      %broadcast_in_dim3A_295 = vector.broadcast %jit3A_294 : i32 to vector<1024x512xi32>
      %select_n3A_296 = arith.select %eq3A_293, %concatenate3A_258, %broadcast_in_dim3A_295 : vector<1024x512xi1>, vector<1024x512xi32>
      %reduce_min3A_297 = arith.constant dense<2147483647> : vector<1024xi32>
      %reduce_min3A_298 = vector.multi_reduction <minsi>, %select_n3A_296, %reduce_min3A_297 [1] : vector<1024x512xi32> to vector<1024xi32>
      %broadcast_in_dim3A_299 = vector.shape_cast %reduce_min3A_298 : vector<1024xi32> to vector<1024x1xi32>
      %eq3A_300 = vector.broadcast %broadcast_in_dim3A_299 : vector<1024x1xi32> to vector<1024x512xi32>
      %eq3A_301 = arith.cmpi eq, %concatenate3A_258, %eq3A_300 : vector<1024x512xi32>
      %jit3A_302 = arith.constant -3.000000e+00 : f32
      %broadcast_in_dim3A_303 = vector.broadcast %jit3A_302 : f32 to vector<1024x512xf32>
      %select_n3A_304 = arith.select %eq3A_301, %broadcast_in_dim3A_303, %select_n3A_288 : vector<1024x512xi1>, vector<1024x512xf32>
      %reduce_max3A_305 = arith.constant dense<0xFF800000> : vector<1024xf32>
      %reduce_max3A_306 = vector.multi_reduction <maximumf>, %select_n3A_304, %reduce_max3A_305 [1] : vector<1024x512xf32> to vector<1024xf32>
      %broadcast_in_dim3A_307 = vector.shape_cast %reduce_max3A_306 : vector<1024xf32> to vector<1024x1xf32>
      %eq3A_308 = vector.broadcast %broadcast_in_dim3A_307 : vector<1024x1xf32> to vector<1024x512xf32>
      %eq3A_309 = arith.cmpf oeq, %select_n3A_304, %eq3A_308 : vector<1024x512xf32>
      %jit3A_310 = arith.constant 1073741824 : i32
      %broadcast_in_dim3A_311 = vector.broadcast %jit3A_310 : i32 to vector<1024x512xi32>
      %select_n3A_312 = arith.select %eq3A_309, %concatenate3A_258, %broadcast_in_dim3A_311 : vector<1024x512xi1>, vector<1024x512xi32>
      %reduce_min3A_313 = arith.constant dense<2147483647> : vector<1024xi32>
      %reduce_min3A_314 = vector.multi_reduction <minsi>, %select_n3A_312, %reduce_min3A_313 [1] : vector<1024x512xi32> to vector<1024xi32>
      %broadcast_in_dim3A_315 = vector.shape_cast %reduce_min3A_314 : vector<1024xi32> to vector<1024x1xi32>
      %concatenate3A_316 = tpu.concatenate %broadcast_in_dim3A_267, %broadcast_in_dim3A_283, %broadcast_in_dim3A_299, %broadcast_in_dim3A_315 in 1 : vector<1024x1xi32>, vector<1024x1xi32>, vector<1024x1xi32>, vector<1024x1xi32> -> vector<1024x4xi32>
      %swap3A_317 = arith.constant 0 : index
      %swap3A_318 = arith.constant 0 : index
      %swap3A_319 = vector.load %arg6[%swap3A_317, %swap3A_318] : memref<1024x4xi32, #tpu.memory_space<vmem>>, vector<1024x4xi32>
      tpu.vector_store %arg6[%swap3A_317, %swap3A_318], %concatenate3A_316 {strides = array<i32>} : memref<1024x4xi32, #tpu.memory_space<vmem>>, vector<1024x4xi32>,
    } else {
    }
    return
  }
  func.func @transform_0(%arg0: i32, %arg1: i32) -> (i32, i32) {
    %c0_i32 = arith.constant 0 : i32
    %c0_i32_0 = arith.constant 0 : i32
    return %arg0, %c0_i32 : i32, i32
  }
  func.func @transform_1(%arg0: i32, %arg1: i32) -> (i32, i32) {
    %c0_i32 = arith.constant 0 : i32
    %c0_i32_0 = arith.constant 0 : i32
    return %arg0, %c0_i32 : i32, i32
  }
  func.func @transform_2(%arg0: i32, %arg1: i32) -> (i32, i32) {
    %c0_i32 = arith.constant 0 : i32
    %c0_i32_0 = arith.constant 0 : i32
    return %c0_i32, %arg1 : i32, i32
  }
  func.func @transform_3(%arg0: i32, %arg1: i32) -> (i32, i32) {
    %c0_i32 = arith.constant 0 : i32
    %c0_i32_0 = arith.constant 0 : i32
    return %arg1, %c0_i32 : i32, i32
  }
  func.func @transform_4(%arg0: i32, %arg1: i32) -> (i32, i32) {
    %c0_i32 = arith.constant 0 : i32
    %c0_i32_0 = arith.constant 0 : i32
    return %arg0, %c0_i32 : i32, i32
  }
}

</mosaic_0001>

<sc_bundles>
// kernel: kernel.4.cloned.1.call-start
scs
__scs_entry_jumppad:
0x0: {  	(pc) =	sbr.rel $0x88, $3  }
0x1: {  	(tag) =	ssettag $0x0;
	lr =	simm.s32 $0x1  }
0x2: {  	[smem:$0x3F9C] =	sst lr;
	_ =	strace $0xD0000000  }
0x3: {  	_ = 	snop  }
0x4: {  	_ = 	snop  }
0x5: {  	_ = 	snop  }
0x6: {  	_ = 	snop  }
0x7: {  	_ = 	snop  }
__scs_overlays_trampoline_lowered:
0x8: {  	[smem:$0x3FAB] =	sst s0  }
0x9: {  	[smem:$0x3FAC] =	sst s1  }
0xa: {  	[smem:$0x3FAD] =	sst s2  }
0xb: {  	[smem:$0x3FAE] =	sst s3  }
0xc: {  	[smem:$0x3FAF] =	sst s4  }
0xd: {  	[smem:$0x3FB0] =	sst s5  }
0xe: {  	[smem:$0x3FB1] =	sst s6  }
0xf: {  	[smem:$0x3FB2] =	sst s7  }
0x10: {  	[smem:$0x3FB3] =	sst s8  }
0x11: {  	[smem:$0x3FB4] =	sst s9;
	s0 =	simm.s32 @!p0 $0x0  }
0x12: {  	s1 =	sld [smem:$0x3F9A];
	s0 =	simm.s32 @p0 $0x1  }
0x13: {  	[smem:$0x3FB5] =	sst s0;
	s0 =	simm.s32 @!p1 $0x0  }
0x14: {  	s2 =	sld [smem:$0x3F99];
	s0 =	simm.s32 @p1 $0x1  }
0x15: {  	[smem:$0x3FB6] =	sst s0;
	s0 =	simm.s32 @!p2 $0x0  }
0x16: {  	s3 =	sld [smem:$0x3FDB];
	s0 =	simm.s32 @p2 $0x1  }
0x17: {  	s4 =	simm.s32 $0x1BF5;
	[smem:$0x3FB8] =	sst s0  }
0x18: {  	s0 =	sld [smem:$0x3F9B];
	_ =	swait.ge [sflag:s4], $0x0  }
0x19: {  	s7 =	sld [smem:$0x3F9C]  }
0x1a: {  	s8 =	sadd.s32 $0xFFFFE003, lr  }
0x1b: {  	s9 =	sadd.s32 $0xFFFFFEF7, lr;
	s5 =	simm.s32 $0xFFFFFFFF;
	p2 =	slt.u32 s8, $0xFFFFF086  }
0x1c: {  	p1 =	slt.u32 s9, $0xF7A;
	s5 =	simm.s32 @!p2 $0x0  }
0x1d: {  	s5 =	simm.s32 @p1 $0x1;
	p0 =	seq.s32 s7, s2  }
0x1e: {  	s7 =	smul.u32 @!p0 $0xF7A, s2;
	p2 =	seq.s32 @!p0 s5, $0x0  }
0x1f: {  	s9 =	smul.u32 $0xF7A, s1;
	s8 =	simm.s32 @!p0 $0x1BF5;
	p2 =	por !p2, p0  }
0x20: {  	[sflag:s8] =	ssyncset.s32 @!p0 $0xFFFFF086;
	s6 =	sadd.s32 @!p0 s3, s7;
	s7 =	simm.s32 @!p0 $0x108  }
0x21: {  	s3 =	sadd.s32 s3, s9;
	s6 =	sadd.s32 @!p0 $0x88, s6;
	s7 =	simm.s32 @p2 $0x1082  }
0x22: {  	[simem:s7], [sflag:s8] =	dma.local @!p0 [hbm:s6], $0xF7A  }
0x23: {  	s9 =	sor.u32 $0xD0000000, s2;
	s6 =	simm.s32 $0x108;
	_ =	swait.ge @!p0 [sflag:s8], $0x0  }
0x24: {  	s3 =	sadd.s32 $0x88, s3;
	s6 =	simm.s32 @!p1 $0x1082;
	[sflag:s4] =	ssyncset.s32 $0xFFFFF086  }
0x25: {  	[simem:s6], [sflag:s4] =	dma.local [hbm:s3], $0xF7A  }
0x26: {  	[smem:$0x3F9C] =	sst s1;
	(tag) =	ssettag s2;
	_ =	strace s9  }
0x27: {  	s1 =	sld [smem:$0x3FAC]  }
0x28: {  	s2 =	sld [smem:$0x3FAD]  }
0x29: {  	s4 =	sld [smem:$0x3FAF]  }
0x2a: {  	p0 =	seq.s32 s5, $0x0;
	s5 =	sld [smem:$0x3FB0]  }
0x2b: {  	s6 =	sld [smem:$0x3FB1]  }
0x2c: {  	s7 =	sld [smem:$0x3FB2]  }
0x2d: {  	s3 =	simm.s32 $0x108;
	s8 =	sld [smem:$0x3FB3]  }
0x2e: {  	s3 =	simm.s32 @!p0 $0x1082;
	s9 =	sld [smem:$0x3FB4]  }
0x2f: {  	lr =	sadd.s32 s0, s3;
	s0 =	sld [smem:$0x3FAB]  }
0x30: {  	s3 =	sld [smem:$0x3FAE]  }
0x31: {  	[smem:$0x3FB7] =	sst s10  }
0x32: {  	s10 =	sld [smem:$0x3FB5];
	_ =	sdelay $0x3  }
0x33: {  	p0 =	seq.s32 s10, $0x1;
	s10 =	sld [smem:$0x3FB7];
	_ =	sdelay $0x3  }
0x34: {  	[smem:$0x3FB7] =	sst s10  }
0x35: {  	s10 =	sld [smem:$0x3FB6];
	_ =	sdelay $0x3  }
0x36: {  	p1 =	seq.s32 s10, $0x1;
	s10 =	sld [smem:$0x3FB7];
	_ =	sdelay $0x3  }
0x37: {  	[smem:$0x3FB7] =	sst s10  }
0x38: {  	s10 =	sld [smem:$0x3FB8]  }
0x39: {  	_ = 	snop;
	(pc) =	sbr.ind lr, $3  }
0x3a: {  	_ = 	snop  }
0x3b: {  	_ = 	snop  }
0x3c: {  	p2 =	seq.s32 s10, $0x1;
	s10 =	sld [smem:$0x3FB7]  }
0x3d: {  	_ =	shalt  }
0x3e: {  	_ =	shalt  }
0x3f: {  	_ =	shalt  }
0x40: {  	_ =	shalt  }
0x41: {  	_ =	shalt  }
0x42: {  	_ =	shalt  }
0x43: {  	_ =	shalt  }
0x44: {  	_ =	shalt  }
0x45: {  	_ =	shalt  }
0x46: {  	_ =	shalt  }
0x47: {  	_ =	shalt  }
0x48: {  	_ =	shalt  }
0x49: {  	_ =	shalt  }
0x4a: {  	_ =	shalt  }
0x4b: {  	_ =	shalt  }
0x4c: {  	_ =	shalt  }
0x4d: {  	_ =	shalt  }
0x4e: {  	_ =	shalt  }
0x4f: {  	_ =	shalt  }
0x50: {  	_ =	shalt  }
0x51: {  	_ =	shalt  }
0x52: {  	_ =	shalt  }
0x53: {  	_ =	shalt  }
0x54: {  	_ =	shalt  }
0x55: {  	_ =	shalt  }
0x56: {  	_ =	shalt  }
0x57: {  	_ =	shalt  }
0x58: {  	_ =	shalt  }
0x59: {  	_ =	shalt  }
0x5a: {  	_ =	shalt  }
0x5b: {  	_ =	shalt  }
0x5c: {  	_ =	shalt  }
0x5d: {  	_ =	shalt  }
0x5e: {  	_ =	shalt  }
0x5f: {  	_ =	shalt  }
0x60: {  	_ =	shalt  }
0x61: {  	_ =	shalt  }
0x62: {  	_ =	shalt  }
0x63: {  	_ =	shalt  }
0x64: {  	_ =	shalt  }
0x65: {  	_ =	shalt  }
0x66: {  	_ =	shalt  }
0x67: {  	_ =	shalt  }
0x68: {  	_ =	shalt  }
0x69: {  	_ =	shalt  }
0x6a: {  	_ =	shalt  }
0x6b: {  	_ =	shalt  }
0x6c: {  	_ =	shalt  }
0x6d: {  	_ =	shalt  }
0x6e: {  	_ =	shalt  }
0x6f: {  	_ =	shalt  }
0x70: {  	_ =	shalt  }
0x71: {  	_ =	shalt  }
0x72: {  	_ =	shalt  }
0x73: {  	_ =	shalt  }
0x74: {  	_ =	shalt  }
0x75: {  	_ =	shalt  }
0x76: {  	_ =	shalt  }
0x77: {  	_ =	shalt  }
0x78: {  	_ =	shalt  }
0x79: {  	_ =	shalt  }
0x7a: {  	_ =	shalt  }
0x7b: {  	_ =	shalt  }
0x7c: {  	_ =	shalt  }
0x7d: {  	_ =	shalt  }
0x7e: {  	_ =	shalt  }
0x7f: {  	_ =	shalt  }
0x80: {  	_ =	shalt  }
0x81: {  	_ =	shalt  }
0x82: {  	_ =	shalt  }
0x83: {  	_ =	shalt  }
0x84: {  	_ =	shalt  }
0x85: {  	_ =	shalt  }
0x86: {  	_ =	shalt  }
0x87: {  	_ =	shalt  }
.Lfunc_end0:
.L_simem_size_0:
called_computation_lowered:
.L_overlay_start_0:
0x88: {  	s2 =	sld [smem:$0x3FD9]  }
0x89: {  	s3 =	sld [smem:$0x3FFE];
	_ =	sdelay $0x1  }
0x8a: {  	s1 =	srdreg.scid  }
0x8b: {  	s0 =	sand.u32 $0x1, s1  }
0x8c: {  	s17 =	sshll.u32 s0, $0xA;
	s2 =	sadd.s32 s3, s2  }
0x8d: {  	s2 =	sadd.s32 s2, s17  }
0x8e: {  	[smem:$0x3FC3] =	sst s2  }
0x8f: {  	_ = 	snop  }
0x90: {  	s2 =	sld [smem:$0x3FC5]  }
0x91: {  	s18 =	sld [smem:$0x3FD0];
	(tm) =	ssettm $0x1  }
0x92: {  	s4 =	sld [smem:$0x3FFB];
	_ =	sdelay $0x3  }
0x93: {  	_ =	strace s4  }
0x94: {  	s4 =	sld [smem:$0x3FFC];
	_ =	sdelay $0x3  }
0x95: {  	_ =	strace s4  }
0x96: {  	s4 =	sld [smem:$0x3FFD];
	_ =	sdelay $0x3  }
0x97: {  	_ =	strace s4  }
0x98: {  	_ =	strace $0x8FFFFFFF  }
0x99: {  	s19 =	sld [smem:$0x3FDB];
	_ =	sdelay $0x1  }
0x9a: {  	s5 =	simm.s32 $_scs_section_size  }
0x9b: {  	s6 =	simm.s32 $_size__tile_overlayer_lowered;
	s7 =	simm.s32 $_tile_overlayer_lowered  }
0x9c: {  	s22 =	simm.s32 $0x1BFF;
	s21 =	sshll.u32 s7, $0x1;
	s4 =	sadd.s32 s5, s19  }
0x9d: {  	s8 =	simm.s32 $0x0;
	s20 =	sshll.u32 s6, $0x1;
	s6 =	sadd.s32 s21, s4  }
0x9e: {  	[timem:s8], [sflag:s22] =	dma.local [hbm:s6], s20  }
0x9f: {  	_ =	swait.ge [sflag:s22], s20  }
0xa0: {  	s5 =	ssub.s32 $0x0, s20;
	[sflag:s22] =	ssyncset.done $0x0  }
0xa1: {  	[sflag:s22] =	ssyncadd.s32 s5;
	_ =	sdelay $0x1  }
0xa2: {  	s23 =	simm.s32 $0x1B8B  }
0xa3: {  	_ =	swait.ge [sflag:s23], $0x1  }
0xa4: {  	[sflag:s23] =	ssyncset.done $0x0  }
0xa5: {  	s25 =	simm.s32 $0x1B8E;
	s24 =	sld [smem:$0x3FFE];
	[sflag:s23] =	ssyncadd.s32 $0xFFFFFFFF  }
0xa6: {  	s26 =	simm.s32 $execute0_lowered;
	[smem:$0x3FD2] =	sst s25  }
0xa7: {  	s6 =	sshll.u32 s26, $0x1;
	_ =	strace $0x80000046;
	[dreg:$0x1] =	wrdreg $0xFFFFFFFF  }
0xa8: {  	s28 =	simm.s32 $_size_execute0_lowered;
	s4 =	sadd.s32 s4, s6;
	[dreg:$0x0] =	wrdreg $0x0  }
0xa9: {  	s6 =	sshll.u32 s28, $0x1;
	[dreg:$0x2] =	wrdreg s4  }
0xaa: {  	[dreg:$0x3] =	wrdreg s6  }
0xab: {  	[dreg:$0x4] =	wrdreg $0xC0  }
0xac: {  	_ =	task [dreg:s8], $0x5FFFF  }
0xad: {  	[dreg:$0x1] =	wrdreg $0xFFFFFFFF  }
0xae: {  	[dreg:$0x0] =	wrdreg $0x60  }
0xaf: {  	[dreg:$0x2] =	wrdreg s2  }
0xb0: {  	[dreg:$0x3] =	wrdreg s24  }
0xb1: {  	[dreg:$0x4] =	wrdreg s18  }
0xb2: {  	[dreg:$0x5] =	wrdreg $0x9  }
0xb3: {  	_ =	task.clear_ibuf [dreg:s8], $0x6FFFF;
	_ =	strace $0x90000046  }
0xb4: {  	s29 =	simm.s32 $0x9;
	_ =	strace $0x80000048  }
0xb5: {  	_ =	swait.ge [sflag:s29], $0x1  }
0xb6: {  	[sflag:s29] =	ssyncadd.s32 $0xFFFFFFFF  }
0xb7: {  	_ =	strace $0x90000048  }
0xb8: {  	_ =	sfence  }
0xb9: {  	s30 =	sld [smem:$0x0];
	_ =	sdelay $0x2  }
0xba: {  	s31 =	sshll.u32 s1, $0xD;
	s1 =	sshrl.u32 s1, $0x2  }
0xbb: {  	s3 =	sand.u32 $0x4000, s31;
	s1 =	sadd.s32 s1, s30  }
0xbc: {  	s0 =	sor.u32 s3, s0;
	s1 =	sshll.u32 s1, $0x11  }
0xbd: {  	s0 =	sor.u32 s1, s0  }
0xbe: {  	s0 =	sadd.s32 $0x8F2B, s0  }
0xbf: {  	[sflag:s0] =	ssyncadd.remote.s32 $0x1  }
0xc0: {  	_ =	sfence.sel $0xFFFF  }
0xc1: {  	[dreg:$0x0] =	wrdreg $0xFFFFFFFF;
	(pc) =	sbr.abs _section_cstart, $3  }
0xc2: {  	[dreg:$0x1] =	wrdreg $0xFFFFFFFF  }
0xc3: {  	_ =	task.clear_ibuf [dreg:s8], $0x2FFFF;
	_ =	strace $0x9FFFFFFF  }
0xc4: {  	(tm) =	ssettm $0x7FFFFFFF  }
0xc5: {  	_ =	shalt  }
tec
execute0_lowered:
.L_overlay_start_1:
0x0: {  	(tag) =	ssettag $0x1  }
0x1: {  	s1 =	rddreg [dreg:$0x0]  }
0x2: {  	s4 =	rddreg [dreg:$0x1]  }
0x3: {  	s5 =	rddreg [dreg:$0x2]  }
0x4: {  	s0 =	rddreg [dreg:$0x3];
	s6 =	srdreg.scid  }
0x5: {  	s2 =	stileid.u32;
	s3 =	simm.s32 $0x0;
	s9 =	simm.s32 $0x200  }
0x6: {  	s10 =	simm.s32 $0x4200;
	s11 =	simm.s32 $0x100;
	s12 =	simm.s32 $0x8200  }
0x7: {  	s13 =	simm.s32 $0x180;
	s14 =	simm.s32 $0xC200;
	s15 =	simm.s32 $0x1  }
0x8: {  	s16 =	simm.s32 $0x10200;
	s6 =	sand.u32 $0x1, s6;
	s7 =	sshll.u32 s2, $0x1  }
0x9: {  	s17 =	simm.s32 $0x0;
	[smem:$0x7FF] =	sst s3;
	s7 =	sor.u32 s6, s7  }
0xa: {  	_ =	strace $0x80000047;
	s6 =	ssub.s32 $0x2, s6;
	s8 =	sshll.u32 s7, $0x6  }
0xb: {  	s31 =	sshrl.u32 s6, $0x1;
	s7 =	sshll.u32 s7, $0xB;
	s4 =	sadd.s32 s8, s4  }
0xc: {  	s6 =	ssub.s32 s6, s31;
	s5 =	sadd.s32 s5, s7;
	s7 =	simm.s32 $0x2  }
0xd: {  	s8 =	simm.s32 $0x80;
	s4 =	sadd.s32 $0x400, s4;
	s6 =	smax.u32 s6, $0x1  }
.LBB2_1:
0xe: {  	[tilespmem:s3], [sflag:$0x2] =	stream.linear.gather [hbm4b:s4+s3], $0x200, $0x38;
	[tilespmem:$0x14200] =	vst v63  }
0xf: {  	_ =	swait.ge [sflag:s7], $0x200  }
0x10: {  	[sflag:s7] =	ssyncset.done $0x0  }
0x11: {  	[sflag:s7] =	ssyncadd.s32 $0xFFFFFE00  }
0x12: {  	[tilespmem:s9], [sflag:$0x1] =	stream.indirect.gather [hbm4b:s1+s8], $0x80, s3, s8, $0xb8;
	[tilespmem:$0x14200] =	vst v63  }
0x13: {  	_ = 	snop  }
0x14: {  	[tilespmem:s10], [sflag:$0x1] =	stream.indirect.gather [hbm4b:s1+s8], $0x80, s8, s8, $0xb8;
	[tilespmem:$0x14200] =	vst v63  }
0x15: {  	_ = 	snop  }
0x16: {  	[tilespmem:s12], [sflag:$0x1] =	stream.indirect.gather [hbm4b:s1+s8], $0x80, s11, s8, $0xb8;
	[tilespmem:$0x14200] =	vst v63  }
0x17: {  	_ = 	snop  }
0x18: {  	[tilespmem:s14], [sflag:$0x1] =	stream.indirect.gather [hbm4b:s1+s8], $0x80, s13, s8, $0xb8;
	[tilespmem:$0x14200] =	vst v63  }
0x19: {  	_ =	swait.ge [sflag:s15], $0x4000  }
0x1a: {  	[sflag:s15] =	ssyncset.done $0x0  }
0x1b: {  	[sflag:s15] =	ssyncadd.s32 $0xFFFFC000  }
0x1c: {  	_ =	swait.ge [sflag:s15], $0x4000  }
0x1d: {  	[sflag:s15] =	ssyncset.done $0x0  }
0x1e: {  	[sflag:s15] =	ssyncadd.s32 $0xFFFFC000  }
0x1f: {  	_ =	swait.ge [sflag:s15], $0x4000  }
0x20: {  	[sflag:s15] =	ssyncset.done $0x0  }
0x21: {  	[sflag:s15] =	ssyncadd.s32 $0xFFFFC000  }
0x22: {  	_ =	swait.ge [sflag:s15], $0x4000  }
0x23: {  	[sflag:s15] =	ssyncset.done $0x0  }
0x24: {  	s18 =	simm.s32 $0x300;
	[sflag:s15] =	ssyncadd.s32 $0xFFFFC000  }
0x25: {  	v0 =	vld [tilespmem:s18+$0xFFFFFF80]  }
0x26: {  	v1 =	vld [tilespmem:s18+$0xFFFFFF00];
	_ =	sdelay $0x1  }
0x27: {  	v2 =	vld [tilespmem:s18+$0x0];
	_ =	sdelay $0x1  }
0x28: {  	v3 =	vld [tilespmem:s18+$0x80]  }
0x29: {  	v0 =	vadd.f32 v0, v1;
	_ =	sdelay $0x1  }
0x2a: {  	v0 =	vadd.f32 v2, v0;
	_ =	sdelay $0x1  }
0x2b: {  	v0 =	vadd.f32 v3, v0;
	_ =	sdelay $0x1  }
0x2c: {  	v0 =	vmul.f32 $2.500000000e-01, v0  }
0x2d: {  	s19 =	simm.s32 $0x0  }
0x2e: {  	[tilespmem:s19+$0x10200] =	vst v0  }
0x2f: {  	v0 =	vld [tilespmem:s18+$0xFFFFFF10]  }
0x30: {  	v1 =	vld [tilespmem:s18+$0xFFFFFF90];
	_ =	sdelay $0x1  }
0x31: {  	v2 =	vld [tilespmem:s18+$0x10];
	_ =	sdelay $0x1  }
0x32: {  	v3 =	vld [tilespmem:s18+$0x90]  }
0x33: {  	v0 =	vadd.f32 v1, v0;
	_ =	sdelay $0x1  }
0x34: {  	v0 =	vadd.f32 v2, v0;
	_ =	sdelay $0x1  }
0x35: {  	v0 =	vadd.f32 v3, v0;
	_ =	sdelay $0x1  }
0x36: {  	v0 =	vmul.f32 $2.500000000e-01, v0;
	_ =	sdelay $0x1  }
0x37: {  	[tilespmem:s19+$0x10210] =	vst v0  }
0x38: {  	v0 =	vld [tilespmem:s18+$0xFFFFFF20]  }
0x39: {  	v1 =	vld [tilespmem:s18+$0xFFFFFFA0];
	_ =	sdelay $0x1  }
0x3a: {  	v2 =	vld [tilespmem:s18+$0x20];
	_ =	sdelay $0x1  }
0x3b: {  	v3 =	vld [tilespmem:s18+$0xA0]  }
0x3c: {  	v0 =	vadd.f32 v1, v0;
	_ =	sdelay $0x1  }
0x3d: {  	v0 =	vadd.f32 v2, v0;
	_ =	sdelay $0x1  }
0x3e: {  	v0 =	vadd.f32 v3, v0;
	_ =	sdelay $0x1  }
0x3f: {  	v0 =	vmul.f32 $2.500000000e-01, v0;
	_ =	sdelay $0x1  }
0x40: {  	[tilespmem:s19+$0x10220] =	vst v0  }
0x41: {  	v0 =	vld [tilespmem:s18+$0xFFFFFF30]  }
0x42: {  	v1 =	vld [tilespmem:s18+$0xFFFFFFB0];
	_ =	sdelay $0x1  }
0x43: {  	v2 =	vld [tilespmem:s18+$0x30];
	_ =	sdelay $0x1  }
0x44: {  	v3 =	vld [tilespmem:s18+$0xB0]  }
0x45: {  	v0 =	vadd.f32 v1, v0;
	_ =	sdelay $0x1  }
0x46: {  	v0 =	vadd.f32 v2, v0;
	_ =	sdelay $0x1  }
0x47: {  	v0 =	vadd.f32 v3, v0;
	_ =	sdelay $0x1  }
0x48: {  	v0 =	vmul.f32 $2.500000000e-01, v0;
	_ =	sdelay $0x1  }
0x49: {  	[tilespmem:s19+$0x10230] =	vst v0  }
0x4a: {  	v0 =	vld [tilespmem:s18+$0xFFFFFF40]  }
0x4b: {  	v1 =	vld [tilespmem:s18+$0xFFFFFFC0];
	_ =	sdelay $0x1  }
0x4c: {  	v2 =	vld [tilespmem:s18+$0x40];
	_ =	sdelay $0x1  }
0x4d: {  	v3 =	vld [tilespmem:s18+$0xC0]  }
0x4e: {  	v0 =	vadd.f32 v1, v0;
	_ =	sdelay $0x1  }
0x4f: {  	v0 =	vadd.f32 v2, v0;
	_ =	sdelay $0x1  }
0x50: {  	v0 =	vadd.f32 v3, v0;
	_ =	sdelay $0x1  }
0x51: {  	v0 =	vmul.f32 $2.500000000e-01, v0;
	_ =	sdelay $0x1  }
0x52: {  	[tilespmem:s19+$0x10240] =	vst v0  }
0x53: {  	v0 =	vld [tilespmem:s18+$0xFFFFFF50]  }
0x54: {  	v1 =	vld [tilespmem:s18+$0xFFFFFFD0];
	_ =	sdelay $0x1  }
0x55: {  	v2 =	vld [tilespmem:s18+$0x50];
	_ =	sdelay $0x1  }
0x56: {  	v3 =	vld [tilespmem:s18+$0xD0]  }
0x57: {  	v0 =	vadd.f32 v1, v0;
	_ =	sdelay $0x1  }
0x58: {  	v0 =	vadd.f32 v2, v0;
	_ =	sdelay $0x1  }
0x59: {  	v0 =	vadd.f32 v3, v0;
	_ =	sdelay $0x1  }
0x5a: {  	v0 =	vmul.f32 $2.500000000e-01, v0;
	_ =	sdelay $0x1  }
0x5b: {  	[tilespmem:s19+$0x10250] =	vst v0  }
0x5c: {  	v0 =	vld [tilespmem:s18+$0xFFFFFF60]  }
0x5d: {  	v1 =	vld [tilespmem:s18+$0xFFFFFFE0];
	_ =	sdelay $0x1  }
0x5e: {  	v2 =	vld [tilespmem:s18+$0x60];
	_ =	sdelay $0x1  }
0x5f: {  	v3 =	vld [tilespmem:s18+$0xE0]  }
0x60: {  	v0 =	vadd.f32 v1, v0;
	_ =	sdelay $0x1  }
0x61: {  	v0 =	vadd.f32 v2, v0;
	_ =	sdelay $0x1  }
0x62: {  	v0 =	vadd.f32 v3, v0;
	_ =	sdelay $0x1  }
0x63: {  	v0 =	vmul.f32 $2.500000000e-01, v0;
	_ =	sdelay $0x1  }
0x64: {  	[tilespmem:s19+$0x10260] =	vst v0  }
0x65: {  	v2 =	vld [tilespmem:s18+$0xFFFFFF70]  }
0x66: {  	v3 =	vld [tilespmem:s18+$0xFFFFFFF0]  }
0x67: {  	v0 =	vld [tilespmem:s18+$0x70]  }
0x68: {  	s20 =	simm.s32 $0x200;
	v1 =	vld [tilespmem:s18+$0xF0]  }
.LBB2_2:
0x69: {  	_ = 	snop  }
0x6a: {  	p0 =	sne.s32 s20, $0xFE00  }
0x6b: {  	s18 =	sadd.s32 $0x200, s18;
	s21 =	smov.u32 s20;
	s20 =	sadd.s32 $0x200, s20;
	v2 =	vadd.f32 v3, v2  }
0x6c: {  	_ = 	snop  }
0x6d: {  	v0 =	vadd.f32 v0, v2;
	_ =	sdelay $0x1  }
0x6e: {  	v0 =	vadd.f32 v1, v0;
	_ =	sdelay $0x1  }
0x6f: {  	v0 =	vmul.f32 $2.500000000e-01, v0;
	_ =	sdelay $0x1  }
0x70: {  	[tilespmem:s19+$0x10270] =	vst v0  }
0x71: {  	v0 =	vld [tilespmem:s18+$0xFFFFFF80]  }
0x72: {  	v1 =	vld [tilespmem:s18+$0xFFFFFF00]  }
0x73: {  	v2 =	vld [tilespmem:s18+$0x0];
	_ =	sdelay $0x2  }
0x74: {  	v3 =	vld [tilespmem:s18+$0x80]  }
0x75: {  	v0 =	vadd.f32 v0, v1;
	_ =	sdelay $0x1  }
0x76: {  	v0 =	vadd.f32 v2, v0;
	_ =	sdelay $0x1  }
0x77: {  	v0 =	vadd.f32 v3, v0;
	_ =	sdelay $0x1  }
0x78: {  	v0 =	vmul.f32 $2.500000000e-01, v0  }
0x79: {  	s19 =	sshra.s32 s21, $0x2  }
0x7a: {  	[tilespmem:s19+$0x10200] =	vst v0  }
0x7b: {  	v0 =	vld [tilespmem:s18+$0xFFFFFF10]  }
0x7c: {  	v1 =	vld [tilespmem:s18+$0xFFFFFF90];
	_ =	sdelay $0x1  }
0x7d: {  	v2 =	vld [tilespmem:s18+$0x10];
	_ =	sdelay $0x1  }
0x7e: {  	v3 =	vld [tilespmem:s18+$0x90]  }
0x7f: {  	v0 =	vadd.f32 v1, v0;
	_ =	sdelay $0x1  }
0x80: {  	v0 =	vadd.f32 v2, v0;
	_ =	sdelay $0x1  }
0x81: {  	v0 =	vadd.f32 v3, v0;
	_ =	sdelay $0x1  }
0x82: {  	v0 =	vmul.f32 $2.500000000e-01, v0;
	_ =	sdelay $0x1  }
0x83: {  	[tilespmem:s19+$0x10210] =	vst v0  }
0x84: {  	v0 =	vld [tilespmem:s18+$0xFFFFFF20]  }
0x85: {  	v1 =	vld [tilespmem:s18+$0xFFFFFFA0];
	_ =	sdelay $0x1  }
0x86: {  	v2 =	vld [tilespmem:s18+$0x20];
	_ =	sdelay $0x1  }
0x87: {  	v3 =	vld [tilespmem:s18+$0xA0]  }
0x88: {  	v0 =	vadd.f32 v1, v0;
	_ =	sdelay $0x1  }
0x89: {  	v0 =	vadd.f32 v2, v0;
	_ =	sdelay $0x1  }
0x8a: {  	v0 =	vadd.f32 v3, v0;
	_ =	sdelay $0x1  }
0x8b: {  	v0 =	vmul.f32 $2.500000000e-01, v0;
	_ =	sdelay $0x1  }
0x8c: {  	[tilespmem:s19+$0x10220] =	vst v0  }
0x8d: {  	v0 =	vld [tilespmem:s18+$0xFFFFFF30]  }
0x8e: {  	v1 =	vld [tilespmem:s18+$0xFFFFFFB0];
	_ =	sdelay $0x1  }
0x8f: {  	v2 =	vld [tilespmem:s18+$0x30];
	_ =	sdelay $0x1  }
0x90: {  	v3 =	vld [tilespmem:s18+$0xB0]  }
0x91: {  	v0 =	vadd.f32 v1, v0;
	_ =	sdelay $0x1  }
0x92: {  	v0 =	vadd.f32 v2, v0;
	_ =	sdelay $0x1  }
0x93: {  	v0 =	vadd.f32 v3, v0;
	_ =	sdelay $0x1  }
0x94: {  	v0 =	vmul.f32 $2.500000000e-01, v0;
	_ =	sdelay $0x1  }
0x95: {  	[tilespmem:s19+$0x10230] =	vst v0  }
0x96: {  	v0 =	vld [tilespmem:s18+$0xFFFFFF40]  }
0x97: {  	v1 =	vld [tilespmem:s18+$0xFFFFFFC0];
	_ =	sdelay $0x1  }
0x98: {  	v2 =	vld [tilespmem:s18+$0x40];
	_ =	sdelay $0x1  }
0x99: {  	v3 =	vld [tilespmem:s18+$0xC0]  }
0x9a: {  	v0 =	vadd.f32 v1, v0;
	_ =	sdelay $0x1  }
0x9b: {  	v0 =	vadd.f32 v2, v0;
	_ =	sdelay $0x1  }
0x9c: {  	v0 =	vadd.f32 v3, v0;
	_ =	sdelay $0x1  }
0x9d: {  	v0 =	vmul.f32 $2.500000000e-01, v0;
	_ =	sdelay $0x1  }
0x9e: {  	[tilespmem:s19+$0x10240] =	vst v0  }
0x9f: {  	v0 =	vld [tilespmem:s18+$0xFFFFFF50]  }
0xa0: {  	v1 =	vld [tilespmem:s18+$0xFFFFFFD0]  }
0xa1: {  	v2 =	vld [tilespmem:s18+$0x50]  }
0xa2: {  	v3 =	vld [tilespmem:s18+$0xD0];
	_ =	sdelay $0x2  }
0xa3: {  	v0 =	vadd.f32 v1, v0;
	_ =	sdelay $0x1  }
0xa4: {  	v0 =	vadd.f32 v2, v0;
	_ =	sdelay $0x1  }
0xa5: {  	v0 =	vadd.f32 v3, v0;
	_ =	sdelay $0x1  }
0xa6: {  	v0 =	vmul.f32 $2.500000000e-01, v0;
	_ =	sdelay $0x1  }
0xa7: {  	[tilespmem:s19+$0x10250] =	vst v0  }
0xa8: {  	v0 =	vld [tilespmem:s18+$0xFFFFFF60]  }
0xa9: {  	v1 =	vld [tilespmem:s18+$0xFFFFFFE0]  }
0xaa: {  	v2 =	vld [tilespmem:s18+$0x60]  }
0xab: {  	v3 =	vld [tilespmem:s18+$0xE0];
	_ =	sdelay $0x2  }
0xac: {  	v0 =	vadd.f32 v1, v0;
	_ =	sdelay $0x1  }
0xad: {  	v0 =	vadd.f32 v2, v0;
	_ =	sdelay $0x1  }
0xae: {  	v0 =	vadd.f32 v3, v0;
	_ =	sdelay $0x1  }
0xaf: {  	v0 =	vmul.f32 $2.500000000e-01, v0;
	_ =	sdelay $0x1  }
.Ltmp0:
0xb0: {  	[tilespmem:s19+$0x10260] =	vst v0;
	(pc) =	sbr.rel @p0 .LBB2_2-.Ltmp0, $4  }
0xb1: {  	v2 =	vld [tilespmem:s18+$0xFFFFFF70]  }
0xb2: {  	v3 =	vld [tilespmem:s18+$0xFFFFFFF0]  }
0xb3: {  	v0 =	vld [tilespmem:s18+$0x70]  }
0xb4: {  	v1 =	vld [tilespmem:s18+$0xF0]  }
0xb5: {  	_ =	sdelay $0x1  }
0xb6: {  	v2 =	vadd.f32 v3, v2;
	_ =	sdelay $0x1  }
0xb7: {  	v0 =	vadd.f32 v0, v2;
	_ =	sdelay $0x1  }
0xb8: {  	v0 =	vadd.f32 v1, v0;
	_ =	sdelay $0x1  }
0xb9: {  	s17 =	sadd.s32 $0x1, s17;
	v0 =	vmul.f32 $2.500000000e-01, v0  }
0xba: {  	p0 =	sne.s32 s17, s6  }
.Ltmp1:
0xbb: {  	[tilespmem:s19+$0x10270] =	vst v0;
	(pc) =	sbr.rel @p0 .LBB2_1-.Ltmp1, $4  }
0xbc: {  	[hbm4b:s5+s3] =	stream.linear.scatter [tilespmem:s16], [sflag:$0x2], $0x4000, $0x38;
	[tilespmem:$0x14200] =	vst v63  }
0xbd: {  	_ =	swait.ge [sflag:s7], $0x4000  }
0xbe: {  	[sflag:s7] =	ssyncset.done $0x0  }
0xbf: {  	[sflag:s7] =	ssyncadd.s32 $0xFFFFC000  }
0xc0: {  	_ =	sfence.sel $0x180000  }
0xc1: {  	[bflag:$0x0] =	sbarrier.arrive $0xFFFF  }
0xc2: {  	p0 =	sne.s32 s2, $0x0;
	_ =	strace $0x90000047  }
0xc3: {  	s0 =	sadd.s32 @!p0 $0x100000, s0;
	[bflag:$0x2] =	sbarrier.arrive $0xFFFF  }
0xc4: {  	[sflag:s0] =	ssyncadd.tile.s32 @!p0 $0x1;
	_ =	shalt  }
.Lfunc_end2:
_tile_overlayer_lowered:
.L_overlay_start_2:
0xc5: {  	(tag) =	ssettag $0x2  }
0xc6: {  	s0 =	rddreg [dreg:$0x0];
	s2 =	stileid.u32  }
0xc7: {  	s1 =	rddreg [dreg:$0x1];
	p0 =	sne.s32 s2, $0x0  }
0xc8: {  	s3 =	rddreg [dreg:$0x2];
	[bflag:$0x3] =	sbarrier.arrive $0xFFFF;
	s2 =	simm.s32 @!p0 $0x1C02  }
0xc9: {  	[timem:s3], [sflag:s2] =	dma.local @!p0 [hbm:s0], s1  }
0xca: {  	s0 =	simm.s32 @!p0 $0x2  }
0xcb: {  	_ =	swait.ge @!p0 [sflag:s0], s1  }
0xcc: {  	s1 =	ssub.s32 @!p0 $0x0, s1;
	[sflag:s0] =	ssyncset.done @!p0 $0x0  }
0xcd: {  	[sflag:s0] =	ssyncadd.s32 @!p0 s1  }
0xce: {  	[bflag:$0x3] =	sbarrier.arrive $0xFFFF  }
0xcf: {  	_ =	shalt  }

</sc_bundles>
